<compile_context>
chip_gen: v7x
topology: tpu7x:2x2x1
jax: 0.10.2.dev20260603
libtpu: 0.0.44.dev20260713+nightly
codegen_flags: <defaults>
</compile_context>

<pallas_src>
import functools

import jax
import jax.numpy as jnp
from jax import lax
from jax.experimental import pallas as pl
from jax.experimental.pallas import tpu as pltpu
from jax.experimental.pallas import tpu_sc as plsc

N = 2048
D = 1024
H = 16
DH = D // H
E = 8
F = 2048
RT = 256
QT = 256
TILE = 256
MAXTILES = (2 * N) // TILE + E
P = MAXTILES * TILE
NW = 32
CH = N // NW

_SQRT_HALF = 0.7071067811865476


def _gelu_exact(x):
    return x * 0.5 * (1.0 + lax.erf(x * _SQRT_HALF))



def _ln_qkv_body(x_ref, g_ref, b_ref, w_ref, bias_ref, o_ref):
    x = x_ref[...]
    m = jnp.mean(x, axis=-1, keepdims=True)
    xc = x - m
    v = jnp.mean(xc * xc, axis=-1, keepdims=True)
    h = xc / jnp.sqrt(v + 1e-5) * g_ref[...] + b_ref[...]
    acc = lax.dot_general(h.astype(jnp.bfloat16), w_ref[...],
                          (((1,), (1,)), ((), ())),
                          preferred_element_type=jnp.float32)
    o_ref[...] = (acc + bias_ref[...]).astype(jnp.bfloat16)


def _attn_body(q_ref, k_ref, v_ref, o_ref):
    q = q_ref[0] * jnp.bfloat16(0.125)
    k = k_ref[0]
    s = lax.dot_general(q, k, (((1,), (1,)), ((), ())),
                        preferred_element_type=jnp.float32)
    m = jnp.max(s, axis=-1, keepdims=True)
    p = jnp.exp(s - m)
    l = jnp.sum(p, axis=-1, keepdims=True)
    attn = (p / l).astype(jnp.bfloat16)
    o_ref[0] = jnp.dot(attn, v_ref[0],
                       preferred_element_type=jnp.float32).astype(jnp.bfloat16)




def _proj_router_body(o_ref, w_ref, b_ref, res_ref, g_ref, bb_ref, rw_ref, rb_ref,
                      x2_ref, h_ref, c0_ref, c1_ref, loss_ref,
                      p0_ref, p1_ref, te_ref, nt_ref,
                      imp_ref, den_ref, carry_ref, csum_ref, i0s_ref, i1s_ref):
    step = pl.program_id(0)
    nsteps = pl.num_programs(0)

    acc = lax.dot_general(o_ref[...], w_ref[...], (((1,), (1,)), ((), ())),
                          preferred_element_type=jnp.float32)
    x2 = acc + b_ref[...] + res_ref[...]
    x2_ref[...] = x2

    m = jnp.mean(x2, axis=-1, keepdims=True)
    xc = x2 - m
    v = jnp.mean(xc * xc, axis=-1, keepdims=True)
    h = xc / jnp.sqrt(v + 1e-5) * g_ref[...] + bb_ref[...]
    h_ref[...] = h
    logits = lax.dot_general(h.astype(jnp.bfloat16), rw_ref[...],
                             (((1,), (1,)), ((), ())),
                             preferred_element_type=jnp.float32) + rb_ref[...]
    lmax = jnp.max(logits, axis=-1, keepdims=True)
    ex = jnp.exp(logits - lmax)
    gates = ex / jnp.sum(ex, axis=-1, keepdims=True)
    lane = lax.broadcasted_iota(jnp.int32, (RT, E), 1)
    v0 = jnp.max(gates, axis=-1, keepdims=True)
    i0 = jnp.min(jnp.where(gates == v0, lane, E), axis=-1, keepdims=True)
    g2 = jnp.where(lane == i0, -jnp.inf, gates)
    v1 = jnp.max(g2, axis=-1, keepdims=True)
    i1 = jnp.min(jnp.where(g2 == v1, lane, E), axis=-1, keepdims=True)
    sv = v0 + v1
    c0_ref[...] = v0 / sv
    c1_ref[...] = v1 / sv

    @pl.when(step == 0)
    def _():
        imp_ref[...] = jnp.zeros_like(imp_ref)
        den_ref[...] = jnp.zeros_like(den_ref)
        carry_ref[...] = jnp.zeros_like(carry_ref)

    imp_ref[...] += jnp.sum(gates, axis=0, keepdims=True)
    den_ref[...] += jnp.sum((lane == i0).astype(jnp.float32), axis=0,
                            keepdims=True)
    loss_ref[...] = (jnp.float32(E) / (N * N)) * jnp.sum(
        imp_ref[...] * den_ref[...], keepdims=True).reshape(1, 1)

    mask = ((i0 == lane) | (i1 == lane)).astype(jnp.bfloat16)
    r = lax.broadcasted_iota(jnp.int32, (RT, RT), 0)
    c = lax.broadcasted_iota(jnp.int32, (RT, RT), 1)
    lt = (c < r).astype(jnp.bfloat16)
    csum = jnp.dot(lt, mask, preferred_element_type=jnp.float32)
    csum_ref[pl.ds(step * RT, RT), :] = csum + carry_ref[...]
    carry_ref[...] += jnp.sum(mask.astype(jnp.float32), axis=0, keepdims=True)
    i0s_ref[pl.ds(step * RT, RT), :] = i0
    i1s_ref[pl.ds(step * RT, RT), :] = i1

    @pl.when(step == nsteps - 1)
    def _():
        counts = carry_ref[...]
        padded = jnp.ceil(counts / TILE) * TILE
        er = lax.broadcasted_iota(jnp.int32, (E, E), 0)
        ec = lax.broadcasted_iota(jnp.int32, (E, E), 1)
        ut = (er < ec).astype(jnp.float32)
        off = jnp.dot(padded, ut, preferred_element_type=jnp.float32)
        offc = off + csum_ref[...]
        lane_n = lax.broadcasted_iota(jnp.int32, (N, E), 1)
        i0a = i0s_ref[...]
        i1a = i1s_ref[...]
        p0 = jnp.sum(jnp.where(i0a == lane_n, offc, 0.0), axis=-1,
                     keepdims=True)
        p1 = jnp.sum(jnp.where(i1a == lane_n, offc, 0.0), axis=-1,
                     keepdims=True)
        p0_ref[...] = p0.astype(jnp.int32)
        p1_ref[...] = p1.astype(jnp.int32)
        j = lax.broadcasted_iota(jnp.int32, (1, 128), 1).astype(jnp.float32)
        te = jnp.zeros((1, 128), jnp.float32)
        for e in range(E):
            tile_off_e = off[0, e] / TILE
            te = te + (j >= tile_off_e).astype(jnp.float32)
        te_ref[...] = (te - 1.0).astype(jnp.int32)
        nt = (off[0, E - 1] + padded[0, E - 1]) / TILE
        nt_ref[...] = jnp.full((1, 1), nt, jnp.float32).astype(jnp.int32)


def _ffn_body(te_ref, nt_ref, g_ref, w1_ref, b1_ref, w2_ref, b2_ref, y_ref):
    i = pl.program_id(0)

    @pl.when(i < nt_ref[0])
    def _():
        hb = g_ref[...].astype(jnp.bfloat16)
        h1 = lax.dot_general(hb, w1_ref[0], (((1,), (1,)), ((), ())),
                             preferred_element_type=jnp.float32)
        a1 = _gelu_exact(h1 + b1_ref[0])
        y = lax.dot_general(a1.astype(jnp.bfloat16), w2_ref[0],
                            (((1,), (1,)), ((), ())),
                            preferred_element_type=jnp.float32)
        y_ref[...] = y + b2_ref[0]


def _combine_body(x2_ref, y0_ref, y1_ref, c0_ref, c1_ref, o_ref):
    o_ref[...] = (x2_ref[...] + c0_ref[...] * y0_ref[...]
                  + c1_ref[...] * y1_ref[...])



def _sc_dispatch(h, p0, p1):
    mesh = plsc.VectorSubcoreMesh(core_axis_name="c", subcore_axis_name="s")

    @functools.partial(
        pl.kernel, mesh=mesh,
        out_type=jax.ShapeDtypeStruct((P, D), jnp.float32),
        scratch_types=[
            pltpu.VMEM((CH,), jnp.int32),
            pltpu.VMEM((CH,), jnp.int32),
            pltpu.VMEM((CH, D), jnp.float32),
            pltpu.SemaphoreType.DMA,
        ],
    )
    def k(h_hbm, p0_hbm, p1_hbm, g_hbm, i0_v, i1_v, rows_v, sem):
        wid = lax.axis_index("s") * 2 + lax.axis_index("c")
        base = wid * CH
        pltpu.sync_copy(p0_hbm.at[pl.ds(base, CH)], i0_v)
        pltpu.sync_copy(p1_hbm.at[pl.ds(base, CH)], i1_v)
        pltpu.async_copy(h_hbm.at[pl.ds(base, CH)], rows_v, sem).wait()
        pltpu.sync_copy(rows_v, g_hbm.at[i0_v])
        pltpu.sync_copy(rows_v, g_hbm.at[i1_v])

    return k(h, p0, p1)


def _sc_gather2(y, p0, p1):
    mesh = plsc.VectorSubcoreMesh(core_axis_name="c", subcore_axis_name="s")
    ot = jax.ShapeDtypeStruct((N, D), jnp.float32)

    @functools.partial(
        pl.kernel, mesh=mesh,
        out_type=(ot, ot),
        scratch_types=[
            pltpu.VMEM((CH,), jnp.int32),
            pltpu.VMEM((CH, D), jnp.float32),
            pltpu.SemaphoreType.DMA,
        ],
    )
    def k(y_hbm, p0_hbm, p1_hbm, y0_hbm, y1_hbm, i_v, buf_v, sem):
        wid = lax.axis_index("s") * 2 + lax.axis_index("c")
        base = wid * CH
        pltpu.sync_copy(p0_hbm.at[pl.ds(base, CH)], i_v)
        pltpu.async_copy(y_hbm.at[i_v], buf_v, sem).wait()
        pltpu.sync_copy(buf_v, y0_hbm.at[pl.ds(base, CH)])
        pltpu.sync_copy(p1_hbm.at[pl.ds(base, CH)], i_v)
        pltpu.async_copy(y_hbm.at[i_v], buf_v, sem).wait()
        pltpu.sync_copy(buf_v, y1_hbm.at[pl.ds(base, CH)])

    return k(y, p0, p1)



def kernel(x, in_proj_w, in_proj_b, out_proj_w, out_proj_b,
           ln1_g, ln1_b, ln2_g, ln2_b, router_w, router_b, w1, b1, w2, b2):
    xf = x.reshape(N, D)
    nrt = N // RT

    qkv = pl.pallas_call(
        _ln_qkv_body,
        grid=(nrt,),
        in_specs=[
            pl.BlockSpec((RT, D), lambda i: (i, 0)),
            pl.BlockSpec((1, D), lambda i: (0, 0)),
            pl.BlockSpec((1, D), lambda i: (0, 0)),
            pl.BlockSpec((3 * D, D), lambda i: (0, 0)),
            pl.BlockSpec((1, 3 * D), lambda i: (0, 0)),
        ],
        out_specs=pl.BlockSpec((RT, 3 * D), lambda i: (i, 0)),
        out_shape=jax.ShapeDtypeStruct((N, 3 * D), jnp.bfloat16),
    )(xf, ln1_g.reshape(1, D), ln1_b.reshape(1, D),
      in_proj_w.astype(jnp.bfloat16), in_proj_b.reshape(1, 3 * D))

    qkv3 = qkv.reshape(N, 3 * H, DH).transpose(1, 0, 2)
    oh = pl.pallas_call(
        _attn_body,
        grid=(H, N // QT),
        in_specs=[
            pl.BlockSpec((1, QT, DH), lambda h, i: (h, i, 0)),
            pl.BlockSpec((1, N, DH), lambda h, i: (H + h, 0, 0)),
            pl.BlockSpec((1, N, DH), lambda h, i: (2 * H + h, 0, 0)),
        ],
        out_specs=pl.BlockSpec((1, QT, DH), lambda h, i: (h, i, 0)),
        out_shape=jax.ShapeDtypeStruct((H, N, DH), jnp.bfloat16),
    )(qkv3, qkv3, qkv3)
    o2d = oh.transpose(1, 0, 2).reshape(N, D)

    x2, h, c0, c1, loss, p0, p1, te, nt = pl.pallas_call(
        _proj_router_body,
        grid=(nrt,),
        in_specs=[
            pl.BlockSpec((RT, D), lambda i: (i, 0)),
            pl.BlockSpec((D, D), lambda i: (0, 0)),
            pl.BlockSpec((1, D), lambda i: (0, 0)),
            pl.BlockSpec((RT, D), lambda i: (i, 0)),
            pl.BlockSpec((1, D), lambda i: (0, 0)),
            pl.BlockSpec((1, D), lambda i: (0, 0)),
            pl.BlockSpec((E, D), lambda i: (0, 0)),
            pl.BlockSpec((1, E), lambda i: (0, 0)),
        ],
        out_specs=[
            pl.BlockSpec((RT, D), lambda i: (i, 0)),
            pl.BlockSpec((RT, D), lambda i: (i, 0)),
            pl.BlockSpec((RT, 1), lambda i: (i, 0)),
            pl.BlockSpec((RT, 1), lambda i: (i, 0)),
            pl.BlockSpec((1, 1), lambda i: (0, 0)),
            pl.BlockSpec((N, 1), lambda i: (0, 0)),
            pl.BlockSpec((N, 1), lambda i: (0, 0)),
            pl.BlockSpec((1, 128), lambda i: (0, 0)),
            pl.BlockSpec((1, 1), lambda i: (0, 0)),
        ],
        out_shape=[
            jax.ShapeDtypeStruct((N, D), jnp.float32),
            jax.ShapeDtypeStruct((N, D), jnp.float32),
            jax.ShapeDtypeStruct((N, 1), jnp.float32),
            jax.ShapeDtypeStruct((N, 1), jnp.float32),
            jax.ShapeDtypeStruct((1, 1), jnp.float32),
            jax.ShapeDtypeStruct((N, 1), jnp.int32),
            jax.ShapeDtypeStruct((N, 1), jnp.int32),
            jax.ShapeDtypeStruct((1, 128), jnp.int32),
            jax.ShapeDtypeStruct((1, 1), jnp.int32),
        ],
        scratch_shapes=[
            pltpu.VMEM((1, E), jnp.float32),
            pltpu.VMEM((1, E), jnp.float32),
            pltpu.VMEM((1, E), jnp.float32),
            pltpu.VMEM((N, E), jnp.float32),
            pltpu.VMEM((N, 1), jnp.int32),
            pltpu.VMEM((N, 1), jnp.int32),
        ],
    )(o2d, out_proj_w.astype(jnp.bfloat16), out_proj_b.reshape(1, D), xf,
      ln2_g.reshape(1, D), ln2_b.reshape(1, D),
      router_w.astype(jnp.bfloat16), router_b.reshape(1, E))

    p0f = p0.reshape(N)
    p1f = p1.reshape(N)

    g = _sc_dispatch(h, p0f, p1f)

    grid_spec = pltpu.PrefetchScalarGridSpec(
        num_scalar_prefetch=2,
        grid=(MAXTILES,),
        in_specs=[
            pl.BlockSpec((TILE, D), lambda i, te, nt: (i, 0)),
            pl.BlockSpec((1, F, D), lambda i, te, nt: (te[i], 0, 0)),
            pl.BlockSpec((1, 1, F), lambda i, te, nt: (te[i], 0, 0)),
            pl.BlockSpec((1, D, F), lambda i, te, nt: (te[i], 0, 0)),
            pl.BlockSpec((1, 1, D), lambda i, te, nt: (te[i], 0, 0)),
        ],
        out_specs=pl.BlockSpec((TILE, D), lambda i, te, nt: (i, 0)),
    )
    y = pl.pallas_call(
        _ffn_body,
        grid_spec=grid_spec,
        out_shape=jax.ShapeDtypeStruct((P, D), jnp.float32),
    )(te.reshape(128), nt.reshape(1), g,
      w1.astype(jnp.bfloat16), b1.reshape(E, 1, F),
      w2.astype(jnp.bfloat16), b2.reshape(E, 1, D))

    y0, y1 = _sc_gather2(y, p0f, p1f)

    out = pl.pallas_call(
        _combine_body,
        grid=(nrt,),
        in_specs=[
            pl.BlockSpec((RT, D), lambda i: (i, 0)),
            pl.BlockSpec((RT, D), lambda i: (i, 0)),
            pl.BlockSpec((RT, D), lambda i: (i, 0)),
            pl.BlockSpec((RT, 1), lambda i: (i, 0)),
            pl.BlockSpec((RT, 1), lambda i: (i, 0)),
        ],
        out_specs=pl.BlockSpec((RT, D), lambda i: (i, 0)),
        out_shape=jax.ShapeDtypeStruct((N, D), jnp.float32),
    )(x2, y0, y1, c0, c1)

    return (out.reshape(x.shape), loss.reshape(()))

# --- scband reference (transcript-rebuilt; emitter-appended) ---
"""Pipeline reference for scband-transformer-layer-with-mo-e-26843545600106 (READ-ONLY COPY).

The authoritative reference and input builder live on the scoring server;
editing this copy changes nothing except your own understanding.
"""

import jax, jax.numpy as jnp
import numpy as np

B, L, D, H, E, F = 1, 2048, 1024, 16, 8, 2048
DH = D // H


def _layernorm(x, g, b, eps=1e-5):
    m = jnp.mean(x, axis=-1, keepdims=True)
    v = jnp.var(x, axis=-1, keepdims=True)
    return (x - m) / jnp.sqrt(v + eps) * g + b


def setup_inputs(seed: int = 0) -> dict:
    key = jax.random.key(seed)
    ks = jax.random.split(key, 8)
    s = 0.02
    return {
        "x": jax.random.normal(ks[0], (B, L, D), dtype=jnp.float32),
        "in_proj_w": jax.random.normal(ks[1], (3 * D, D), dtype=jnp.float32) * s,
        "in_proj_b": jnp.zeros((3 * D,), jnp.float32),
        "out_proj_w": jax.random.normal(ks[2], (D, D), dtype=jnp.float32) * s,
        "out_proj_b": jnp.zeros((D,), jnp.float32),
        "ln1_g": jnp.ones((D,), jnp.float32),
        "ln1_b": jnp.zeros((D,), jnp.float32),
        "ln2_g": jnp.ones((D,), jnp.float32),
        "ln2_b": jnp.zeros((D,), jnp.float32),
        "router_w": jax.random.normal(ks[3], (E, D), dtype=jnp.float32) * s,
        "router_b": jnp.zeros((E,), jnp.float32),
        "w1": jax.random.normal(ks[4], (E, F, D), dtype=jnp.float32) * s,
        "b1": jnp.zeros((E, F), jnp.float32),
        "w2": jax.random.normal(ks[5], (E, D, F), dtype=jnp.float32) * s,
        "b2": jnp.zeros((E, D), jnp.float32),
    }


def reference(x, in_proj_w, in_proj_b, out_proj_w, out_proj_b, ln1_g, ln1_b, ln2_g, ln2_b, router_w, router_b, w1, b1, w2, b2):
    # --- self-attention block (eval mode: dropout = identity) ---
    residual = x
    h = _layernorm(x, ln1_g, ln1_b)
    qkv = h @ in_proj_w.T + in_proj_b
    q, k, v = jnp.split(qkv, 3, axis=-1)

    def _heads(t):
        return t.reshape(B, L, H, DH).transpose(0, 2, 1, 3)

    q, k, v = _heads(q), _heads(k), _heads(v)
    scores = jnp.einsum('bhqd,bhkd->bhqk', q, k) / jnp.sqrt(jnp.float32(DH))
    attn = jax.nn.softmax(scores, axis=-1)
    o = jnp.einsum('bhqk,bhkd->bhqd', attn, v)
    o = o.transpose(0, 2, 1, 3).reshape(B, L, D)
    o = o @ out_proj_w.T + out_proj_b
    x = residual + o

    # --- MoE block: top-2 softmax routing + load-balancing aux loss ---
    residual = x
    h = _layernorm(x, ln2_g, ln2_b)
    flat = h.reshape(-1, D)  # [N, D]
    logits = flat @ router_w.T + router_b  # [N, E]
    gates = jax.nn.softmax(logits, axis=-1)
    top_v, top_i = jax.lax.top_k(gates, 2)
    top_v = top_v / jnp.sum(top_v, axis=-1, keepdims=True)
    # combine weights [N, E]
    cw = jnp.sum(jax.nn.one_hot(top_i, E, dtype=flat.dtype) * top_v[..., None], axis=1)
    # expert FFNs computed densely, combined by routing weights
    h1 = jnp.einsum('nd,efd->nef', flat, w1) + b1  # [N, E, F]
    a1 = jax.nn.gelu(h1, approximate=False)
    e_out = jnp.einsum('nef,edf->ned', a1, w2) + b2  # [N, E, D]
    moe_out = jnp.einsum('ne,ned->nd', cw, e_out)  # [N, D]
    # aux load-balance loss: E * sum(fraction_routed_top1 * mean_gate_prob)
    density = jnp.mean(jax.nn.one_hot(top_i[:, 0], E, dtype=flat.dtype), axis=0)
    importance = jnp.mean(gates, axis=0)
    moe_loss = jnp.float32(E) * jnp.sum(density * importance)

    out = residual + moe_out.reshape(B, L, D)
    return (out, moe_loss)

if __name__ == "__main__":
    import jax
    _d = setup_inputs()
    print(jax.jit(kernel)(*tuple(_d.values())))

</pallas_src>

<mosaic_0001>
#map = affine_map<(d0, d1) -> (0, 0)>
#map1 = affine_map<(d0, d1) -> (0)>
module attributes {stable_mosaic.version = 14 : i64} {
  func.func @k(%arg0: i32, %arg1: i32, %arg2: memref<6144x1024xf32, #tpu.memory_space<hbm>>, %arg3: memref<2048xi32, #tpu.memory_space<hbm>>, %arg4: memref<2048xi32, #tpu.memory_space<hbm>>, %arg5: memref<2048x1024xf32, #tpu.memory_space<hbm>>, %arg6: memref<2048x1024xf32, #tpu.memory_space<hbm>>, %arg7: memref<64xi32, #tpu.memory_space<vmem>>, %arg8: memref<64x1024xf32, #tpu.memory_space<vmem>>, %arg9: memref<!tpu.dma_semaphore, #tpu.memory_space<semaphore_mem>>) attributes {dimension_semantics = [#tpu.dimension_semantics<core_parallel>, #tpu.dimension_semantics<subcore_parallel>], iteration_bounds = array<i64: 2, 16>, scalar_prefetch = 0 : i64, scratch_operands = 3 : i64, tpu.core_type = #tpu.core_type<sc_vector_subcore>, window_params = [{transform_indices = #map}, {transform_indices = #map1}, {transform_indices = #map1}, {transform_indices = #map}, {transform_indices = #map}]} {
    %mul3A = arith.constant 2 : i32
    %mul3A_0 = arith.muli %arg1, %mul3A : i32
    %add3A = arith.addi %mul3A_0, %arg0 : i32
    %mul3A_1 = arith.constant 64 : i32
    %mul3A_2 = arith.muli %add3A, %mul3A_1 : i32
    "tpu.region"() ({
      %run_scoped3A = tpu.sem_alloc : memref<!tpu.dma_semaphore, #tpu.memory_space<semaphore_mem>>
      %dma_start3A_13 = tpu.memref_slice %arg3[%mul3A_2] : memref<2048xi32, #tpu.memory_space<hbm>> -> memref<64xi32, #tpu.memory_space<hbm>>
      %dma_start3A_14 = tpu.memref_slice %arg3[%mul3A_2] : memref<2048xi32, #tpu.memory_space<hbm>> -> memref<64xi32, #tpu.memory_space<hbm>>
      tpu.enqueue_dma source(%dma_start3A_14 : memref<64xi32, #tpu.memory_space<hbm>>) target(%arg7 : memref<64xi32, #tpu.memory_space<vmem>>) target_semaphore(%run_scoped3A : memref<!tpu.dma_semaphore, #tpu.memory_space<semaphore_mem>>)
      %dma_wait3A_15 = tpu.memref_slice %arg3[%mul3A_2] : memref<2048xi32, #tpu.memory_space<hbm>> -> memref<64xi32, #tpu.memory_space<hbm>>
      %dma_wait3A_16 = tpu.memref_slice %arg3[%mul3A_2] : memref<2048xi32, #tpu.memory_space<hbm>> -> memref<64xi32, #tpu.memory_space<hbm>>
      tpu.wait_dma2 semaphore(%run_scoped3A : memref<!tpu.dma_semaphore, #tpu.memory_space<semaphore_mem>>) src(%dma_wait3A_16 : memref<64xi32, #tpu.memory_space<hbm>>) dst(%arg7 : memref<64xi32, #tpu.memory_space<vmem>>)
      tpu.yield
    }) : () -> ()
    %dma_start3A = arith.constant 0 : i32
    %dma_start3A_3 = arith.constant 0 : i32
    %dma_start3A_4 = tpu.memref_slice %arg2[%dma_start3A, %dma_start3A_3] : memref<6144x1024xf32, #tpu.memory_space<hbm>> -> memref<6144x1024xf32, #tpu.memory_space<hbm>>
    tpu.enqueue_indirect_dma source(%dma_start3A_4 : memref<6144x1024xf32, #tpu.memory_space<hbm>>) target(%arg8 : memref<64x1024xf32, #tpu.memory_space<vmem>>) offsets(%arg7 : memref<64xi32, #tpu.memory_space<vmem>>) semaphore(%arg9 : memref<!tpu.dma_semaphore, #tpu.memory_space<semaphore_mem>>)
    %dma_wait3A = arith.constant 0 : i32
    %dma_wait3A_5 = arith.constant 0 : i32
    %dma_wait3A_6 = tpu.memref_slice %arg2[%dma_wait3A, %dma_wait3A_5] : memref<6144x1024xf32, #tpu.memory_space<hbm>> -> memref<6144x1024xf32, #tpu.memory_space<hbm>>
    tpu.wait_indirect_dma semaphore(%arg9 : memref<!tpu.dma_semaphore, #tpu.memory_space<semaphore_mem>>) src(%dma_wait3A_6 : memref<6144x1024xf32, #tpu.memory_space<hbm>>) dst(%arg8 : memref<64x1024xf32, #tpu.memory_space<vmem>>)
    "tpu.region"() ({
      %run_scoped3A = tpu.sem_alloc : memref<!tpu.dma_semaphore, #tpu.memory_space<semaphore_mem>>
      %dma_start3A_13 = arith.constant 0 : i32
      %dma_start3A_14 = tpu.memref_slice %arg5[%mul3A_2, %dma_start3A_13] : memref<2048x1024xf32, #tpu.memory_space<hbm>> -> memref<64x1024xf32, #tpu.memory_space<hbm>>
      %dma_start3A_15 = arith.constant 0 : i32
      %dma_start3A_16 = tpu.memref_slice %arg5[%mul3A_2, %dma_start3A_15] : memref<2048x1024xf32, #tpu.memory_space<hbm>> -> memref<64x1024xf32, #tpu.memory_space<hbm>>
      tpu.enqueue_dma source(%arg8 : memref<64x1024xf32, #tpu.memory_space<vmem>>) target(%dma_start3A_16 : memref<64x1024xf32, #tpu.memory_space<hbm>>) target_semaphore(%run_scoped3A : memref<!tpu.dma_semaphore, #tpu.memory_space<semaphore_mem>>)
      %dma_wait3A_17 = arith.constant 0 : i32
      %dma_wait3A_18 = tpu.memref_slice %arg5[%mul3A_2, %dma_wait3A_17] : memref<2048x1024xf32, #tpu.memory_space<hbm>> -> memref<64x1024xf32, #tpu.memory_space<hbm>>
      %dma_wait3A_19 = arith.constant 0 : i32
      %dma_wait3A_20 = tpu.memref_slice %arg5[%mul3A_2, %dma_wait3A_19] : memref<2048x1024xf32, #tpu.memory_space<hbm>> -> memref<64x1024xf32, #tpu.memory_space<hbm>>
      tpu.wait_dma2 semaphore(%run_scoped3A : memref<!tpu.dma_semaphore, #tpu.memory_space<semaphore_mem>>) src(%arg8 : memref<64x1024xf32, #tpu.memory_space<vmem>>) dst(%dma_wait3A_20 : memref<64x1024xf32, #tpu.memory_space<hbm>>)
      tpu.yield
    }) : () -> ()
    "tpu.region"() ({
      %run_scoped3A = tpu.sem_alloc : memref<!tpu.dma_semaphore, #tpu.memory_space<semaphore_mem>>
      %dma_start3A_13 = tpu.memref_slice %arg4[%mul3A_2] : memref<2048xi32, #tpu.memory_space<hbm>> -> memref<64xi32, #tpu.memory_space<hbm>>
      %dma_start3A_14 = tpu.memref_slice %arg4[%mul3A_2] : memref<2048xi32, #tpu.memory_space<hbm>> -> memref<64xi32, #tpu.memory_space<hbm>>
      tpu.enqueue_dma source(%dma_start3A_14 : memref<64xi32, #tpu.memory_space<hbm>>) target(%arg7 : memref<64xi32, #tpu.memory_space<vmem>>) target_semaphore(%run_scoped3A : memref<!tpu.dma_semaphore, #tpu.memory_space<semaphore_mem>>)
      %dma_wait3A_15 = tpu.memref_slice %arg4[%mul3A_2] : memref<2048xi32, #tpu.memory_space<hbm>> -> memref<64xi32, #tpu.memory_space<hbm>>
      %dma_wait3A_16 = tpu.memref_slice %arg4[%mul3A_2] : memref<2048xi32, #tpu.memory_space<hbm>> -> memref<64xi32, #tpu.memory_space<hbm>>
      tpu.wait_dma2 semaphore(%run_scoped3A : memref<!tpu.dma_semaphore, #tpu.memory_space<semaphore_mem>>) src(%dma_wait3A_16 : memref<64xi32, #tpu.memory_space<hbm>>) dst(%arg7 : memref<64xi32, #tpu.memory_space<vmem>>)
      tpu.yield
    }) : () -> ()
    %dma_start3A_7 = arith.constant 0 : i32
    %dma_start3A_8 = arith.constant 0 : i32
    %dma_start3A_9 = tpu.memref_slice %arg2[%dma_start3A_7, %dma_start3A_8] : memref<6144x1024xf32, #tpu.memory_space<hbm>> -> memref<6144x1024xf32, #tpu.memory_space<hbm>>
    tpu.enqueue_indirect_dma source(%dma_start3A_9 : memref<6144x1024xf32, #tpu.memory_space<hbm>>) target(%arg8 : memref<64x1024xf32, #tpu.memory_space<vmem>>) offsets(%arg7 : memref<64xi32, #tpu.memory_space<vmem>>) semaphore(%arg9 : memref<!tpu.dma_semaphore, #tpu.memory_space<semaphore_mem>>)
    %dma_wait3A_10 = arith.constant 0 : i32
    %dma_wait3A_11 = arith.constant 0 : i32
    %dma_wait3A_12 = tpu.memref_slice %arg2[%dma_wait3A_10, %dma_wait3A_11] : memref<6144x1024xf32, #tpu.memory_space<hbm>> -> memref<6144x1024xf32, #tpu.memory_space<hbm>>
    tpu.wait_indirect_dma semaphore(%arg9 : memref<!tpu.dma_semaphore, #tpu.memory_space<semaphore_mem>>) src(%dma_wait3A_12 : memref<6144x1024xf32, #tpu.memory_space<hbm>>) dst(%arg8 : memref<64x1024xf32, #tpu.memory_space<vmem>>)
    "tpu.region"() ({
      %run_scoped3A = tpu.sem_alloc : memref<!tpu.dma_semaphore, #tpu.memory_space<semaphore_mem>>
      %dma_start3A_13 = arith.constant 0 : i32
      %dma_start3A_14 = tpu.memref_slice %arg6[%mul3A_2, %dma_start3A_13] : memref<2048x1024xf32, #tpu.memory_space<hbm>> -> memref<64x1024xf32, #tpu.memory_space<hbm>>
      %dma_start3A_15 = arith.constant 0 : i32
      %dma_start3A_16 = tpu.memref_slice %arg6[%mul3A_2, %dma_start3A_15] : memref<2048x1024xf32, #tpu.memory_space<hbm>> -> memref<64x1024xf32, #tpu.memory_space<hbm>>
      tpu.enqueue_dma source(%arg8 : memref<64x1024xf32, #tpu.memory_space<vmem>>) target(%dma_start3A_16 : memref<64x1024xf32, #tpu.memory_space<hbm>>) target_semaphore(%run_scoped3A : memref<!tpu.dma_semaphore, #tpu.memory_space<semaphore_mem>>)
      %dma_wait3A_17 = arith.constant 0 : i32
      %dma_wait3A_18 = tpu.memref_slice %arg6[%mul3A_2, %dma_wait3A_17] : memref<2048x1024xf32, #tpu.memory_space<hbm>> -> memref<64x1024xf32, #tpu.memory_space<hbm>>
      %dma_wait3A_19 = arith.constant 0 : i32
      %dma_wait3A_20 = tpu.memref_slice %arg6[%mul3A_2, %dma_wait3A_19] : memref<2048x1024xf32, #tpu.memory_space<hbm>> -> memref<64x1024xf32, #tpu.memory_space<hbm>>
      tpu.wait_dma2 semaphore(%run_scoped3A : memref<!tpu.dma_semaphore, #tpu.memory_space<semaphore_mem>>) src(%arg8 : memref<64x1024xf32, #tpu.memory_space<vmem>>) dst(%dma_wait3A_20 : memref<64x1024xf32, #tpu.memory_space<hbm>>)
      tpu.yield
    }) : () -> ()
    return
  }
}

#map = affine_map<(d0, d1) -> (0, 0)>
#map1 = affine_map<(d0, d1) -> (0)>
module attributes {stable_mosaic.version = 14 : i64} {
  func.func @k(%arg0: i32, %arg1: i32, %arg2: memref<2048x1024xf32, #tpu.memory_space<hbm>>, %arg3: memref<2048xi32, #tpu.memory_space<hbm>>, %arg4: memref<2048xi32, #tpu.memory_space<hbm>>, %arg5: memref<6144x1024xf32, #tpu.memory_space<hbm>>, %arg6: memref<64xi32, #tpu.memory_space<vmem>>, %arg7: memref<64xi32, #tpu.memory_space<vmem>>, %arg8: memref<64x1024xf32, #tpu.memory_space<vmem>>, %arg9: memref<!tpu.dma_semaphore, #tpu.memory_space<semaphore_mem>>) attributes {dimension_semantics = [#tpu.dimension_semantics<core_parallel>, #tpu.dimension_semantics<subcore_parallel>], iteration_bounds = array<i64: 2, 16>, scalar_prefetch = 0 : i64, scratch_operands = 4 : i64, tpu.core_type = #tpu.core_type<sc_vector_subcore>, window_params = [{transform_indices = #map}, {transform_indices = #map1}, {transform_indices = #map1}, {transform_indices = #map}]} {
    %mul3A = arith.constant 2 : i32
    %mul3A_0 = arith.muli %arg1, %mul3A : i32
    %add3A = arith.addi %mul3A_0, %arg0 : i32
    %mul3A_1 = arith.constant 64 : i32
    %mul3A_2 = arith.muli %add3A, %mul3A_1 : i32
    "tpu.region"() ({
      %run_scoped3A = tpu.sem_alloc : memref<!tpu.dma_semaphore, #tpu.memory_space<semaphore_mem>>
      %dma_start3A_9 = tpu.memref_slice %arg3[%mul3A_2] : memref<2048xi32, #tpu.memory_space<hbm>> -> memref<64xi32, #tpu.memory_space<hbm>>
      %dma_start3A_10 = tpu.memref_slice %arg3[%mul3A_2] : memref<2048xi32, #tpu.memory_space<hbm>> -> memref<64xi32, #tpu.memory_space<hbm>>
      tpu.enqueue_dma source(%dma_start3A_10 : memref<64xi32, #tpu.memory_space<hbm>>) target(%arg6 : memref<64xi32, #tpu.memory_space<vmem>>) target_semaphore(%run_scoped3A : memref<!tpu.dma_semaphore, #tpu.memory_space<semaphore_mem>>)
      %dma_wait3A_11 = tpu.memref_slice %arg3[%mul3A_2] : memref<2048xi32, #tpu.memory_space<hbm>> -> memref<64xi32, #tpu.memory_space<hbm>>
      %dma_wait3A_12 = tpu.memref_slice %arg3[%mul3A_2] : memref<2048xi32, #tpu.memory_space<hbm>> -> memref<64xi32, #tpu.memory_space<hbm>>
      tpu.wait_dma2 semaphore(%run_scoped3A : memref<!tpu.dma_semaphore, #tpu.memory_space<semaphore_mem>>) src(%dma_wait3A_12 : memref<64xi32, #tpu.memory_space<hbm>>) dst(%arg6 : memref<64xi32, #tpu.memory_space<vmem>>)
      tpu.yield
    }) : () -> ()
    "tpu.region"() ({
      %run_scoped3A = tpu.sem_alloc : memref<!tpu.dma_semaphore, #tpu.memory_space<semaphore_mem>>
      %dma_start3A_9 = tpu.memref_slice %arg4[%mul3A_2] : memref<2048xi32, #tpu.memory_space<hbm>> -> memref<64xi32, #tpu.memory_space<hbm>>
      %dma_start3A_10 = tpu.memref_slice %arg4[%mul3A_2] : memref<2048xi32, #tpu.memory_space<hbm>> -> memref<64xi32, #tpu.memory_space<hbm>>
      tpu.enqueue_dma source(%dma_start3A_10 : memref<64xi32, #tpu.memory_space<hbm>>) target(%arg7 : memref<64xi32, #tpu.memory_space<vmem>>) target_semaphore(%run_scoped3A : memref<!tpu.dma_semaphore, #tpu.memory_space<semaphore_mem>>)
      %dma_wait3A_11 = tpu.memref_slice %arg4[%mul3A_2] : memref<2048xi32, #tpu.memory_space<hbm>> -> memref<64xi32, #tpu.memory_space<hbm>>
      %dma_wait3A_12 = tpu.memref_slice %arg4[%mul3A_2] : memref<2048xi32, #tpu.memory_space<hbm>> -> memref<64xi32, #tpu.memory_space<hbm>>
      tpu.wait_dma2 semaphore(%run_scoped3A : memref<!tpu.dma_semaphore, #tpu.memory_space<semaphore_mem>>) src(%dma_wait3A_12 : memref<64xi32, #tpu.memory_space<hbm>>) dst(%arg7 : memref<64xi32, #tpu.memory_space<vmem>>)
      tpu.yield
    }) : () -> ()
    %dma_start3A = arith.constant 0 : i32
    %dma_start3A_3 = tpu.memref_slice %arg2[%mul3A_2, %dma_start3A] : memref<2048x1024xf32, #tpu.memory_space<hbm>> -> memref<64x1024xf32, #tpu.memory_space<hbm>>
    %dma_start3A_4 = arith.constant 0 : i32
    %dma_start3A_5 = tpu.memref_slice %arg2[%mul3A_2, %dma_start3A_4] : memref<2048x1024xf32, #tpu.memory_space<hbm>> -> memref<64x1024xf32, #tpu.memory_space<hbm>>
    tpu.enqueue_dma source(%dma_start3A_5 : memref<64x1024xf32, #tpu.memory_space<hbm>>) target(%arg8 : memref<64x1024xf32, #tpu.memory_space<vmem>>) target_semaphore(%arg9 : memref<!tpu.dma_semaphore, #tpu.memory_space<semaphore_mem>>)
    %dma_wait3A = arith.constant 0 : i32
    %dma_wait3A_6 = tpu.memref_slice %arg2[%mul3A_2, %dma_wait3A] : memref<2048x1024xf32, #tpu.memory_space<hbm>> -> memref<64x1024xf32, #tpu.memory_space<hbm>>
    %dma_wait3A_7 = arith.constant 0 : i32
    %dma_wait3A_8 = tpu.memref_slice %arg2[%mul3A_2, %dma_wait3A_7] : memref<2048x1024xf32, #tpu.memory_space<hbm>> -> memref<64x1024xf32, #tpu.memory_space<hbm>>
    tpu.wait_dma2 semaphore(%arg9 : memref<!tpu.dma_semaphore, #tpu.memory_space<semaphore_mem>>) src(%dma_wait3A_8 : memref<64x1024xf32, #tpu.memory_space<hbm>>) dst(%arg8 : memref<64x1024xf32, #tpu.memory_space<vmem>>)
    "tpu.region"() ({
      %run_scoped3A = tpu.sem_alloc : memref<!tpu.dma_semaphore, #tpu.memory_space<semaphore_mem>>
      %dma_start3A_9 = arith.constant 0 : i32
      %dma_start3A_10 = arith.constant 0 : i32
      %dma_start3A_11 = tpu.memref_slice %arg5[%dma_start3A_9, %dma_start3A_10] : memref<6144x1024xf32, #tpu.memory_space<hbm>> -> memref<6144x1024xf32, #tpu.memory_space<hbm>>
      tpu.enqueue_indirect_dma source(%arg8 : memref<64x1024xf32, #tpu.memory_space<vmem>>) target(%dma_start3A_11 : memref<6144x1024xf32, #tpu.memory_space<hbm>>) offsets(%arg6 : memref<64xi32, #tpu.memory_space<vmem>>) semaphore(%run_scoped3A : memref<!tpu.dma_semaphore, #tpu.memory_space<semaphore_mem>>)
      %dma_wait3A_12 = arith.constant 0 : i32
      %dma_wait3A_13 = arith.constant 0 : i32
      %dma_wait3A_14 = tpu.memref_slice %arg5[%dma_wait3A_12, %dma_wait3A_13] : memref<6144x1024xf32, #tpu.memory_space<hbm>> -> memref<6144x1024xf32, #tpu.memory_space<hbm>>
      tpu.wait_indirect_dma semaphore(%run_scoped3A : memref<!tpu.dma_semaphore, #tpu.memory_space<semaphore_mem>>) src(%arg8 : memref<64x1024xf32, #tpu.memory_space<vmem>>) dst(%dma_wait3A_14 : memref<6144x1024xf32, #tpu.memory_space<hbm>>)
      tpu.yield
    }) : () -> ()
    "tpu.region"() ({
      %run_scoped3A = tpu.sem_alloc : memref<!tpu.dma_semaphore, #tpu.memory_space<semaphore_mem>>
      %dma_start3A_9 = arith.constant 0 : i32
      %dma_start3A_10 = arith.constant 0 : i32
      %dma_start3A_11 = tpu.memref_slice %arg5[%dma_start3A_9, %dma_start3A_10] : memref<6144x1024xf32, #tpu.memory_space<hbm>> -> memref<6144x1024xf32, #tpu.memory_space<hbm>>
      tpu.enqueue_indirect_dma source(%arg8 : memref<64x1024xf32, #tpu.memory_space<vmem>>) target(%dma_start3A_11 : memref<6144x1024xf32, #tpu.memory_space<hbm>>) offsets(%arg7 : memref<64xi32, #tpu.memory_space<vmem>>) semaphore(%run_scoped3A : memref<!tpu.dma_semaphore, #tpu.memory_space<semaphore_mem>>)
      %dma_wait3A_12 = arith.constant 0 : i32
      %dma_wait3A_13 = arith.constant 0 : i32
      %dma_wait3A_14 = tpu.memref_slice %arg5[%dma_wait3A_12, %dma_wait3A_13] : memref<6144x1024xf32, #tpu.memory_space<hbm>> -> memref<6144x1024xf32, #tpu.memory_space<hbm>>
      tpu.wait_indirect_dma semaphore(%run_scoped3A : memref<!tpu.dma_semaphore, #tpu.memory_space<semaphore_mem>>) src(%arg8 : memref<64x1024xf32, #tpu.memory_space<vmem>>) dst(%dma_wait3A_14 : memref<6144x1024xf32, #tpu.memory_space<hbm>>)
      tpu.yield
    }) : () -> ()
    return
  }
}

module attributes {stable_mosaic.version = 14 : i64} {
  func.func @_ln_qkv_body(%arg0: i32, %arg1: memref<256x1024xf32, #tpu.memory_space<vmem>>, %arg2: memref<1x1024xf32, #tpu.memory_space<vmem>>, %arg3: memref<1x1024xf32, #tpu.memory_space<vmem>>, %arg4: memref<3072x1024xbf16, #tpu.memory_space<vmem>>, %arg5: memref<1x3072xf32, #tpu.memory_space<vmem>>, %arg6: memref<256x3072xbf16, #tpu.memory_space<vmem>>) attributes {dimension_semantics = [#tpu.dimension_semantics<arbitrary>], iteration_bounds = array<i64: 8>, scalar_prefetch = 0 : i64, scratch_operands = 0 : i64, tpu.core_type = #tpu.core_type<tc>, window_params = [{transform_indices = @transform_0, window_bounds = array<i64: 256, 1024>}, {pipeline_mode = #tpu.pipeline_mode<synchronous>, transform_indices = @transform_1, window_bounds = array<i64: 1, 1024>}, {pipeline_mode = #tpu.pipeline_mode<synchronous>, transform_indices = @transform_2, window_bounds = array<i64: 1, 1024>}, {pipeline_mode = #tpu.pipeline_mode<synchronous>, transform_indices = @transform_3, window_bounds = array<i64: 3072, 1024>}, {pipeline_mode = #tpu.pipeline_mode<synchronous>, transform_indices = @transform_4, window_bounds = array<i64: 1, 3072>}, {transform_indices = @transform_5, window_bounds = array<i64: 256, 3072>}]} {
    %get3A = arith.constant 0 : index
    %get3A_0 = arith.constant 0 : index
    %get3A_1 = vector.load %arg1[%get3A, %get3A_0] : memref<256x1024xf32, #tpu.memory_space<vmem>>, vector<256x1024xf32>
    %reduce_sum3A = arith.constant dense<0.000000e+00> : vector<256xf32>
    %reduce_sum3A_2 = vector.multi_reduction <add>, %get3A_1, %reduce_sum3A [1] : vector<256x1024xf32> to vector<256xf32>
    %broadcast_in_dim3A = vector.shape_cast %reduce_sum3A_2 : vector<256xf32> to vector<256x1xf32>
    %div3A = arith.constant 1.024000e+03 : f32
    %div3A_3 = vector.broadcast %div3A : f32 to vector<256x1xf32>
    %div3A_4 = arith.divf %broadcast_in_dim3A, %div3A_3 : vector<256x1xf32>
    %sub3A = vector.broadcast %div3A_4 : vector<256x1xf32> to vector<256x1024xf32>
    %sub3A_5 = arith.subf %get3A_1, %sub3A : vector<256x1024xf32>
    %mul3A = arith.mulf %sub3A_5, %sub3A_5 : vector<256x1024xf32>
    %reduce_sum3A_6 = arith.constant dense<0.000000e+00> : vector<256xf32>
    %reduce_sum3A_7 = vector.multi_reduction <add>, %mul3A, %reduce_sum3A_6 [1] : vector<256x1024xf32> to vector<256xf32>
    %broadcast_in_dim3A_8 = vector.shape_cast %reduce_sum3A_7 : vector<256xf32> to vector<256x1xf32>
    %div3A_9 = arith.constant 1.024000e+03 : f32
    %div3A_10 = vector.broadcast %div3A_9 : f32 to vector<256x1xf32>
    %div3A_11 = arith.divf %broadcast_in_dim3A_8, %div3A_10 : vector<256x1xf32>
    %add3A = arith.constant 9.99999974E-6 : f32
    %add3A_12 = vector.broadcast %add3A : f32 to vector<256x1xf32>
    %add3A_13 = arith.addf %div3A_11, %add3A_12 : vector<256x1xf32>
    %sqrt3A = math.sqrt %add3A_13 : vector<256x1xf32>
    %div3A_14 = vector.broadcast %sqrt3A : vector<256x1xf32> to vector<256x1024xf32>
    %div3A_15 = arith.divf %sub3A_5, %div3A_14 : vector<256x1024xf32>
    %get3A_16 = arith.constant 0 : index
    %get3A_17 = arith.constant 0 : index
    %get3A_18 = vector.load %arg2[%get3A_16, %get3A_17] : memref<1x1024xf32, #tpu.memory_space<vmem>>, vector<1x1024xf32>
    %mul3A_19 = vector.broadcast %get3A_18 : vector<1x1024xf32> to vector<256x1024xf32>
    %mul3A_20 = arith.mulf %div3A_15, %mul3A_19 : vector<256x1024xf32>
    %get3A_21 = arith.constant 0 : index
    %get3A_22 = arith.constant 0 : index
    %get3A_23 = vector.load %arg3[%get3A_21, %get3A_22] : memref<1x1024xf32, #tpu.memory_space<vmem>>, vector<1x1024xf32>
    %add3A_24 = vector.broadcast %get3A_23 : vector<1x1024xf32> to vector<256x1024xf32>
    %add3A_25 = arith.addf %mul3A_20, %add3A_24 : vector<256x1024xf32>
    %convert_element_type3A = arith.truncf %add3A_25 : vector<256x1024xf32> to vector<256x1024xbf16>
    %get3A_26 = arith.constant 0 : index
    %get3A_27 = arith.constant 0 : index
    %get3A_28 = vector.load %arg4[%get3A_26, %get3A_27] : memref<3072x1024xbf16, #tpu.memory_space<vmem>>, vector<3072x1024xbf16>
    %dot_general3A = arith.constant dense<0.000000e+00> : vector<256x3072xf32>
    %dot_general3A_29 = tpu.matmul %convert_element_type3A, %get3A_28, %dot_general3A {dimension_numbers = #tpu.dot_dimension_numbers<[1], [1], [0], [0], [0, 0, 1, 0], [], []>, transpose_lhs_hint = false} : vector<256x1024xbf16>, vector<3072x1024xbf16>, vector<256x3072xf32> -> vector<256x3072xf32>
    %get3A_30 = arith.constant 0 : index
    %get3A_31 = arith.constant 0 : index
    %get3A_32 = vector.load %arg5[%get3A_30, %get3A_31] : memref<1x3072xf32, #tpu.memory_space<vmem>>, vector<1x3072xf32>
    %add3A_33 = vector.broadcast %get3A_32 : vector<1x3072xf32> to vector<256x3072xf32>
    %add3A_34 = arith.addf %dot_general3A_29, %add3A_33 : vector<256x3072xf32>
    %convert_element_type3A_35 = arith.truncf %add3A_34 : vector<256x3072xf32> to vector<256x3072xbf16>
    %swap3A = arith.constant 0 : index
    %swap3A_36 = arith.constant 0 : index
    %swap3A_37 = vector.load %arg6[%swap3A, %swap3A_36] : memref<256x3072xbf16, #tpu.memory_space<vmem>>, vector<256x3072xbf16>
    tpu.vector_store %arg6[%swap3A, %swap3A_36], %convert_element_type3A_35 {strides = array<i32>} : memref<256x3072xbf16, #tpu.memory_space<vmem>>, vector<256x3072xbf16>,
    return
  }
  func.func @transform_0(%arg0: i32) -> (i32, i32) {
    %c0_i32 = arith.constant 0 : i32
    %c0_i32_0 = arith.constant 0 : i32
    return %arg0, %c0_i32 : i32, i32
  }
  func.func @transform_1(%arg0: i32) -> (i32, i32) {
    %c0_i32 = arith.constant 0 : i32
    %c0_i32_0 = arith.constant 0 : i32
    %c0_i32_1 = arith.constant 0 : i32
    return %c0_i32, %c0_i32_0 : i32, i32
  }
  func.func @transform_2(%arg0: i32) -> (i32, i32) {
    %c0_i32 = arith.constant 0 : i32
    %c0_i32_0 = arith.constant 0 : i32
    %c0_i32_1 = arith.constant 0 : i32
    return %c0_i32, %c0_i32_0 : i32, i32
  }
  func.func @transform_3(%arg0: i32) -> (i32, i32) {
    %c0_i32 = arith.constant 0 : i32
    %c0_i32_0 = arith.constant 0 : i32
    %c0_i32_1 = arith.constant 0 : i32
    return %c0_i32, %c0_i32_0 : i32, i32
  }
  func.func @transform_4(%arg0: i32) -> (i32, i32) {
    %c0_i32 = arith.constant 0 : i32
    %c0_i32_0 = arith.constant 0 : i32
    %c0_i32_1 = arith.constant 0 : i32
    return %c0_i32, %c0_i32_0 : i32, i32
  }
  func.func @transform_5(%arg0: i32) -> (i32, i32) {
    %c0_i32 = arith.constant 0 : i32
    %c0_i32_0 = arith.constant 0 : i32
    return %arg0, %c0_i32 : i32, i32
  }
}

module attributes {stable_mosaic.version = 14 : i64} {
  func.func @_attn_body(%arg0: i32, %arg1: i32, %arg2: memref<1x256x64xbf16, #tpu.memory_space<vmem>>, %arg3: memref<1x2048x64xbf16, #tpu.memory_space<vmem>>, %arg4: memref<1x2048x64xbf16, #tpu.memory_space<vmem>>, %arg5: memref<1x256x64xbf16, #tpu.memory_space<vmem>>) attributes {dimension_semantics = [#tpu.dimension_semantics<arbitrary>, #tpu.dimension_semantics<arbitrary>], iteration_bounds = array<i64: 16, 8>, scalar_prefetch = 0 : i64, scratch_operands = 0 : i64, tpu.core_type = #tpu.core_type<tc>, window_params = [{transform_indices = @transform_0, window_bounds = array<i64: 1, 256, 64>}, {transform_indices = @transform_1, window_bounds = array<i64: 1, 2048, 64>}, {transform_indices = @transform_2, window_bounds = array<i64: 1, 2048, 64>}, {transform_indices = @transform_3, window_bounds = array<i64: 1, 256, 64>}]} {
    %get3A = arith.constant 0 : index
    %get3A_0 = arith.constant 0 : index
    %get3A_1 = arith.constant 0 : index
    %get3A_2 = vector.load %arg2[%get3A, %get3A_0, %get3A_1] : memref<1x256x64xbf16, #tpu.memory_space<vmem>>, vector<1x256x64xbf16>
    %get3A_3 = vector.shape_cast %get3A_2 : vector<1x256x64xbf16> to vector<256x64xbf16>
    %mul3A = arith.constant 1.250000e-01 : bf16
    %mul3A_4 = vector.broadcast %mul3A : bf16 to vector<256x64xbf16>
    %mul3A_5 = arith.mulf %get3A_3, %mul3A_4 : vector<256x64xbf16>
    %get3A_6 = arith.constant 0 : index
    %get3A_7 = arith.constant 0 : index
    %get3A_8 = arith.constant 0 : index
    %get3A_9 = vector.load %arg3[%get3A_6, %get3A_7, %get3A_8] : memref<1x2048x64xbf16, #tpu.memory_space<vmem>>, vector<1x2048x64xbf16>
    %get3A_10 = vector.shape_cast %get3A_9 : vector<1x2048x64xbf16> to vector<2048x64xbf16>
    %dot_general3A = arith.constant dense<0.000000e+00> : vector<256x2048xf32>
    %dot_general3A_11 = tpu.matmul %mul3A_5, %get3A_10, %dot_general3A {dimension_numbers = #tpu.dot_dimension_numbers<[1], [1], [0], [0], [0, 0, 1, 0], [], []>, transpose_lhs_hint = false} : vector<256x64xbf16>, vector<2048x64xbf16>, vector<256x2048xf32> -> vector<256x2048xf32>
    %reduce_max3A = arith.constant dense<0xFF800000> : vector<256xf32>
    %reduce_max3A_12 = vector.multi_reduction <maximumf>, %dot_general3A_11, %reduce_max3A [1] : vector<256x2048xf32> to vector<256xf32>
    %broadcast_in_dim3A = vector.shape_cast %reduce_max3A_12 : vector<256xf32> to vector<256x1xf32>
    %sub3A = vector.broadcast %broadcast_in_dim3A : vector<256x1xf32> to vector<256x2048xf32>
    %sub3A_13 = arith.subf %dot_general3A_11, %sub3A : vector<256x2048xf32>
    %exp3A = math.exp %sub3A_13 : vector<256x2048xf32>
    %reduce_sum3A = arith.constant dense<0.000000e+00> : vector<256xf32>
    %reduce_sum3A_14 = vector.multi_reduction <add>, %exp3A, %reduce_sum3A [1] : vector<256x2048xf32> to vector<256xf32>
    %broadcast_in_dim3A_15 = vector.shape_cast %reduce_sum3A_14 : vector<256xf32> to vector<256x1xf32>
    %div3A = vector.broadcast %broadcast_in_dim3A_15 : vector<256x1xf32> to vector<256x2048xf32>
    %div3A_16 = arith.divf %exp3A, %div3A : vector<256x2048xf32>
    %convert_element_type3A = arith.truncf %div3A_16 : vector<256x2048xf32> to vector<256x2048xbf16>
    %get3A_17 = arith.constant 0 : index
    %get3A_18 = arith.constant 0 : index
    %get3A_19 = arith.constant 0 : index
    %get3A_20 = vector.load %arg4[%get3A_17, %get3A_18, %get3A_19] : memref<1x2048x64xbf16, #tpu.memory_space<vmem>>, vector<1x2048x64xbf16>
    %get3A_21 = vector.shape_cast %get3A_20 : vector<1x2048x64xbf16> to vector<2048x64xbf16>
    %dot_general3A_22 = arith.constant dense<0.000000e+00> : vector<256x64xf32>
    %dot_general3A_23 = tpu.matmul %convert_element_type3A, %get3A_21, %dot_general3A_22 {dimension_numbers = #tpu.dot_dimension_numbers<[1], [0], [0], [1], [0, 0, 1, 1], [], []>, transpose_lhs_hint = false} : vector<256x2048xbf16>, vector<2048x64xbf16>, vector<256x64xf32> -> vector<256x64xf32>
    %convert_element_type3A_24 = arith.truncf %dot_general3A_23 : vector<256x64xf32> to vector<256x64xbf16>
    %swap3A = arith.constant 0 : index
    %swap3A_25 = arith.constant 0 : index
    %swap3A_26 = arith.constant 0 : index
    %swap3A_27 = vector.load %arg5[%swap3A, %swap3A_25, %swap3A_26] : memref<1x256x64xbf16, #tpu.memory_space<vmem>>, vector<1x256x64xbf16>
    %swap3A_28 = vector.shape_cast %swap3A_27 : vector<1x256x64xbf16> to vector<256x64xbf16>
    %swap3A_29 = vector.shape_cast %convert_element_type3A_24 : vector<256x64xbf16> to vector<1x256x64xbf16>
    tpu.vector_store %arg5[%swap3A, %swap3A_25, %swap3A_26], %swap3A_29 {strides = array<i32>} : memref<1x256x64xbf16, #tpu.memory_space<vmem>>, vector<1x256x64xbf16>,
    return
  }
  func.func @transform_0(%arg0: i32, %arg1: i32) -> (i32, i32, i32) {
    %c0_i32 = arith.constant 0 : i32
    %c0_i32_0 = arith.constant 0 : i32
    return %arg0, %arg1, %c0_i32 : i32, i32, i32
  }
  func.func @transform_1(%arg0: i32, %arg1: i32) -> (i32, i32, i32) {
    %add3A = arith.constant 16 : i32
    %add3A_0 = arith.addi %add3A, %arg0 : i32
    %c0_i32 = arith.constant 0 : i32
    %c0_i32_1 = arith.constant 0 : i32
    %c0_i32_2 = arith.constant 0 : i32
    return %add3A_0, %c0_i32, %c0_i32_1 : i32, i32, i32
  }
  func.func @transform_2(%arg0: i32, %arg1: i32) -> (i32, i32, i32) {
    %add3A = arith.constant 32 : i32
    %add3A_0 = arith.addi %add3A, %arg0 : i32
    %c0_i32 = arith.constant 0 : i32
    %c0_i32_1 = arith.constant 0 : i32
    %c0_i32_2 = arith.constant 0 : i32
    return %add3A_0, %c0_i32, %c0_i32_1 : i32, i32, i32
  }
  func.func @transform_3(%arg0: i32, %arg1: i32) -> (i32, i32, i32) {
    %c0_i32 = arith.constant 0 : i32
    %c0_i32_0 = arith.constant 0 : i32
    return %arg0, %arg1, %c0_i32 : i32, i32, i32
  }
}

module attributes {stable_mosaic.version = 14 : i64} {
  func.func @_proj_router_body(%arg0: i32, %arg1: memref<256x1024xbf16, #tpu.memory_space<vmem>>, %arg2: memref<1024x1024xbf16, #tpu.memory_space<vmem>>, %arg3: memref<1x1024xf32, #tpu.memory_space<vmem>>, %arg4: memref<256x1024xf32, #tpu.memory_space<vmem>>, %arg5: memref<1x1024xf32, #tpu.memory_space<vmem>>, %arg6: memref<1x1024xf32, #tpu.memory_space<vmem>>, %arg7: memref<8x1024xbf16, #tpu.memory_space<vmem>>, %arg8: memref<1x8xf32, #tpu.memory_space<vmem>>, %arg9: memref<256x1024xf32, #tpu.memory_space<vmem>>, %arg10: memref<256x1024xf32, #tpu.memory_space<vmem>>, %arg11: memref<256x1xf32, #tpu.memory_space<vmem>>, %arg12: memref<256x1xf32, #tpu.memory_space<vmem>>, %arg13: memref<1x1xf32, #tpu.memory_space<vmem>>, %arg14: memref<2048x1xi32, #tpu.memory_space<vmem>>, %arg15: memref<2048x1xi32, #tpu.memory_space<vmem>>, %arg16: memref<1x128xi32, #tpu.memory_space<vmem>>, %arg17: memref<1x1xi32, #tpu.memory_space<vmem>>, %arg18: memref<1x8xf32, #tpu.memory_space<vmem>>, %arg19: memref<1x8xf32, #tpu.memory_space<vmem>>, %arg20: memref<1x8xf32, #tpu.memory_space<vmem>>, %arg21: memref<2048x8xf32, #tpu.memory_space<vmem>>, %arg22: memref<2048x1xi32, #tpu.memory_space<vmem>>, %arg23: memref<2048x1xi32, #tpu.memory_space<vmem>>) attributes {dimension_semantics = [#tpu.dimension_semantics<arbitrary>], iteration_bounds = array<i64: 8>, scalar_prefetch = 0 : i64, scratch_operands = 6 : i64, tpu.core_type = #tpu.core_type<tc>, window_params = [{transform_indices = @transform_0, window_bounds = array<i64: 256, 1024>}, {pipeline_mode = #tpu.pipeline_mode<synchronous>, transform_indices = @transform_1, window_bounds = array<i64: 1024, 1024>}, {pipeline_mode = #tpu.pipeline_mode<synchronous>, transform_indices = @transform_2, window_bounds = array<i64: 1, 1024>}, {transform_indices = @transform_3, window_bounds = array<i64: 256, 1024>}, {pipeline_mode = #tpu.pipeline_mode<synchronous>, transform_indices = @transform_4, window_bounds = array<i64: 1, 1024>}, {pipeline_mode = #tpu.pipeline_mode<synchronous>, transform_indices = @transform_5, window_bounds = array<i64: 1, 1024>}, {pipeline_mode = #tpu.pipeline_mode<synchronous>, transform_indices = @transform_6, window_bounds = array<i64: 8, 1024>}, {pipeline_mode = #tpu.pipeline_mode<synchronous>, transform_indices = @transform_7, window_bounds = array<i64: 1, 8>}, {transform_indices = @transform_8, window_bounds = array<i64: 256, 1024>}, {transform_indices = @transform_9, window_bounds = array<i64: 256, 1024>}, {transform_indices = @transform_10, window_bounds = array<i64: 256, 1>}, {transform_indices = @transform_11, window_bounds = array<i64: 256, 1>}, {pipeline_mode = #tpu.pipeline_mode<synchronous>, transform_indices = @transform_12, window_bounds = array<i64: 1, 1>}, {pipeline_mode = #tpu.pipeline_mode<synchronous>, transform_indices = @transform_13, window_bounds = array<i64: 2048, 1>}, {pipeline_mode = #tpu.pipeline_mode<synchronous>, transform_indices = @transform_14, window_bounds = array<i64: 2048, 1>}, {pipeline_mode = #tpu.pipeline_mode<synchronous>, transform_indices = @transform_15, window_bounds = array<i64: 1, 128>}, {pipeline_mode = #tpu.pipeline_mode<synchronous>, transform_indices = @transform_16, window_bounds = array<i64: 1, 1>}]} {
    %get3A = arith.constant 0 : index
    %get3A_0 = arith.constant 0 : index
    %get3A_1 = vector.load %arg1[%get3A, %get3A_0] : memref<256x1024xbf16, #tpu.memory_space<vmem>>, vector<256x1024xbf16>
    %get3A_2 = arith.constant 0 : index
    %get3A_3 = arith.constant 0 : index
    %get3A_4 = vector.load %arg2[%get3A_2, %get3A_3] : memref<1024x1024xbf16, #tpu.memory_space<vmem>>, vector<1024x1024xbf16>
    %dot_general3A = arith.constant dense<0.000000e+00> : vector<256x1024xf32>
    %dot_general3A_5 = tpu.matmul %get3A_1, %get3A_4, %dot_general3A {dimension_numbers = #tpu.dot_dimension_numbers<[1], [1], [0], [0], [0, 0, 1, 0], [], []>, transpose_lhs_hint = false} : vector<256x1024xbf16>, vector<1024x1024xbf16>, vector<256x1024xf32> -> vector<256x1024xf32>
    %get3A_6 = arith.constant 0 : index
    %get3A_7 = arith.constant 0 : index
    %get3A_8 = vector.load %arg3[%get3A_6, %get3A_7] : memref<1x1024xf32, #tpu.memory_space<vmem>>, vector<1x1024xf32>
    %add3A = vector.broadcast %get3A_8 : vector<1x1024xf32> to vector<256x1024xf32>
    %add3A_9 = arith.addf %dot_general3A_5, %add3A : vector<256x1024xf32>
    %get3A_10 = arith.constant 0 : index
    %get3A_11 = arith.constant 0 : index
    %get3A_12 = vector.load %arg4[%get3A_10, %get3A_11] : memref<256x1024xf32, #tpu.memory_space<vmem>>, vector<256x1024xf32>
    %add3A_13 = arith.addf %add3A_9, %get3A_12 : vector<256x1024xf32>
    %swap3A = arith.constant 0 : index
    %swap3A_14 = arith.constant 0 : index
    %swap3A_15 = vector.load %arg9[%swap3A, %swap3A_14] : memref<256x1024xf32, #tpu.memory_space<vmem>>, vector<256x1024xf32>
    tpu.vector_store %arg9[%swap3A, %swap3A_14], %add3A_13 {strides = array<i32>} : memref<256x1024xf32, #tpu.memory_space<vmem>>, vector<256x1024xf32>,
    %reduce_sum3A = arith.constant dense<0.000000e+00> : vector<256xf32>
    %reduce_sum3A_16 = vector.multi_reduction <add>, %add3A_13, %reduce_sum3A [1] : vector<256x1024xf32> to vector<256xf32>
    %broadcast_in_dim3A = vector.shape_cast %reduce_sum3A_16 : vector<256xf32> to vector<256x1xf32>
    %div3A = arith.constant 1.024000e+03 : f32
    %div3A_17 = vector.broadcast %div3A : f32 to vector<256x1xf32>
    %div3A_18 = arith.divf %broadcast_in_dim3A, %div3A_17 : vector<256x1xf32>
    %sub3A = vector.broadcast %div3A_18 : vector<256x1xf32> to vector<256x1024xf32>
    %sub3A_19 = arith.subf %add3A_13, %sub3A : vector<256x1024xf32>
    %mul3A = arith.mulf %sub3A_19, %sub3A_19 : vector<256x1024xf32>
    %reduce_sum3A_20 = arith.constant dense<0.000000e+00> : vector<256xf32>
    %reduce_sum3A_21 = vector.multi_reduction <add>, %mul3A, %reduce_sum3A_20 [1] : vector<256x1024xf32> to vector<256xf32>
    %broadcast_in_dim3A_22 = vector.shape_cast %reduce_sum3A_21 : vector<256xf32> to vector<256x1xf32>
    %div3A_23 = arith.constant 1.024000e+03 : f32
    %div3A_24 = vector.broadcast %div3A_23 : f32 to vector<256x1xf32>
    %div3A_25 = arith.divf %broadcast_in_dim3A_22, %div3A_24 : vector<256x1xf32>
    %add3A_26 = arith.constant 9.99999974E-6 : f32
    %add3A_27 = vector.broadcast %add3A_26 : f32 to vector<256x1xf32>
    %add3A_28 = arith.addf %div3A_25, %add3A_27 : vector<256x1xf32>
    %sqrt3A = math.sqrt %add3A_28 : vector<256x1xf32>
    %div3A_29 = vector.broadcast %sqrt3A : vector<256x1xf32> to vector<256x1024xf32>
    %div3A_30 = arith.divf %sub3A_19, %div3A_29 : vector<256x1024xf32>
    %get3A_31 = arith.constant 0 : index
    %get3A_32 = arith.constant 0 : index
    %get3A_33 = vector.load %arg5[%get3A_31, %get3A_32] : memref<1x1024xf32, #tpu.memory_space<vmem>>, vector<1x1024xf32>
    %mul3A_34 = vector.broadcast %get3A_33 : vector<1x1024xf32> to vector<256x1024xf32>
    %mul3A_35 = arith.mulf %div3A_30, %mul3A_34 : vector<256x1024xf32>
    %get3A_36 = arith.constant 0 : index
    %get3A_37 = arith.constant 0 : index
    %get3A_38 = vector.load %arg6[%get3A_36, %get3A_37] : memref<1x1024xf32, #tpu.memory_space<vmem>>, vector<1x1024xf32>
    %add3A_39 = vector.broadcast %get3A_38 : vector<1x1024xf32> to vector<256x1024xf32>
    %add3A_40 = arith.addf %mul3A_35, %add3A_39 : vector<256x1024xf32>
    %swap3A_41 = arith.constant 0 : index
    %swap3A_42 = arith.constant 0 : index
    %swap3A_43 = vector.load %arg10[%swap3A_41, %swap3A_42] : memref<256x1024xf32, #tpu.memory_space<vmem>>, vector<256x1024xf32>
    tpu.vector_store %arg10[%swap3A_41, %swap3A_42], %add3A_40 {strides = array<i32>} : memref<256x1024xf32, #tpu.memory_space<vmem>>, vector<256x1024xf32>,
    %convert_element_type3A = arith.truncf %add3A_40 : vector<256x1024xf32> to vector<256x1024xbf16>
    %get3A_44 = arith.constant 0 : index
    %get3A_45 = arith.constant 0 : index
    %get3A_46 = vector.load %arg7[%get3A_44, %get3A_45] : memref<8x1024xbf16, #tpu.memory_space<vmem>>, vector<8x1024xbf16>
    %dot_general3A_47 = arith.constant dense<0.000000e+00> : vector<256x8xf32>
    %dot_general3A_48 = tpu.matmul %convert_element_type3A, %get3A_46, %dot_general3A_47 {dimension_numbers = #tpu.dot_dimension_numbers<[1], [1], [0], [0], [0, 0, 1, 0], [], []>, transpose_lhs_hint = false} : vector<256x1024xbf16>, vector<8x1024xbf16>, vector<256x8xf32> -> vector<256x8xf32>
    %get3A_49 = arith.constant 0 : index
    %get3A_50 = arith.constant 0 : index
    %get3A_51 = vector.load %arg8[%get3A_49, %get3A_50] : memref<1x8xf32, #tpu.memory_space<vmem>>, vector<1x8xf32>
    %add3A_52 = vector.broadcast %get3A_51 : vector<1x8xf32> to vector<256x8xf32>
    %add3A_53 = arith.addf %dot_general3A_48, %add3A_52 : vector<256x8xf32>
    %reduce_max3A = arith.constant dense<0xFF800000> : vector<256xf32>
    %reduce_max3A_54 = vector.multi_reduction <maximumf>, %add3A_53, %reduce_max3A [1] : vector<256x8xf32> to vector<256xf32>
    %broadcast_in_dim3A_55 = vector.shape_cast %reduce_max3A_54 : vector<256xf32> to vector<256x1xf32>
    %sub3A_56 = vector.broadcast %broadcast_in_dim3A_55 : vector<256x1xf32> to vector<256x8xf32>
    %sub3A_57 = arith.subf %add3A_53, %sub3A_56 : vector<256x8xf32>
    %exp3A = math.exp %sub3A_57 : vector<256x8xf32>
    %reduce_sum3A_58 = arith.constant dense<0.000000e+00> : vector<256xf32>
    %reduce_sum3A_59 = vector.multi_reduction <add>, %exp3A, %reduce_sum3A_58 [1] : vector<256x8xf32> to vector<256xf32>
    %broadcast_in_dim3A_60 = vector.shape_cast %reduce_sum3A_59 : vector<256xf32> to vector<256x1xf32>
    %div3A_61 = vector.broadcast %broadcast_in_dim3A_60 : vector<256x1xf32> to vector<256x8xf32>
    %div3A_62 = arith.divf %exp3A, %div3A_61 : vector<256x8xf32>
    %iota3A = tpu.iota {dimensions = array<i32: 1>} : vector<256x8xi32>
    %reduce_max3A_63 = arith.constant dense<0xFF800000> : vector<256xf32>
    %reduce_max3A_64 = vector.multi_reduction <maximumf>, %div3A_62, %reduce_max3A_63 [1] : vector<256x8xf32> to vector<256xf32>
    %broadcast_in_dim3A_65 = vector.shape_cast %reduce_max3A_64 : vector<256xf32> to vector<256x1xf32>
    %eq3A = vector.broadcast %broadcast_in_dim3A_65 : vector<256x1xf32> to vector<256x8xf32>
    %eq3A_66 = arith.cmpf oeq, %div3A_62, %eq3A : vector<256x8xf32>
    %jit3A = arith.constant 8 : i32
    %broadcast_in_dim3A_67 = vector.broadcast %jit3A : i32 to vector<256x8xi32>
    %select_n3A = arith.select %eq3A_66, %iota3A, %broadcast_in_dim3A_67 : vector<256x8xi1>, vector<256x8xi32>
    %reduce_min3A = arith.constant dense<2147483647> : vector<256xi32>
    %reduce_min3A_68 = vector.multi_reduction <minsi>, %select_n3A, %reduce_min3A [1] : vector<256x8xi32> to vector<256xi32>
    %broadcast_in_dim3A_69 = vector.shape_cast %reduce_min3A_68 : vector<256xi32> to vector<256x1xi32>
    %eq3A_70 = vector.broadcast %broadcast_in_dim3A_69 : vector<256x1xi32> to vector<256x8xi32>
    %eq3A_71 = arith.cmpi eq, %iota3A, %eq3A_70 : vector<256x8xi32>
    %jit3A_72 = arith.constant 0xFF800000 : f32
    %broadcast_in_dim3A_73 = vector.broadcast %jit3A_72 : f32 to vector<256x8xf32>
    %select_n3A_74 = arith.select %eq3A_71, %broadcast_in_dim3A_73, %div3A_62 : vector<256x8xi1>, vector<256x8xf32>
    %reduce_max3A_75 = arith.constant dense<0xFF800000> : vector<256xf32>
    %reduce_max3A_76 = vector.multi_reduction <maximumf>, %select_n3A_74, %reduce_max3A_75 [1] : vector<256x8xf32> to vector<256xf32>
    %broadcast_in_dim3A_77 = vector.shape_cast %reduce_max3A_76 : vector<256xf32> to vector<256x1xf32>
    %eq3A_78 = vector.broadcast %broadcast_in_dim3A_77 : vector<256x1xf32> to vector<256x8xf32>
    %eq3A_79 = arith.cmpf oeq, %select_n3A_74, %eq3A_78 : vector<256x8xf32>
    %jit3A_80 = arith.constant 8 : i32
    %broadcast_in_dim3A_81 = vector.broadcast %jit3A_80 : i32 to vector<256x8xi32>
    %select_n3A_82 = arith.select %eq3A_79, %iota3A, %broadcast_in_dim3A_81 : vector<256x8xi1>, vector<256x8xi32>
    %reduce_min3A_83 = arith.constant dense<2147483647> : vector<256xi32>
    %reduce_min3A_84 = vector.multi_reduction <minsi>, %select_n3A_82, %reduce_min3A_83 [1] : vector<256x8xi32> to vector<256xi32>
    %broadcast_in_dim3A_85 = vector.shape_cast %reduce_min3A_84 : vector<256xi32> to vector<256x1xi32>
    %add3A_86 = arith.addf %broadcast_in_dim3A_65, %broadcast_in_dim3A_77 : vector<256x1xf32>
    %div3A_87 = arith.divf %broadcast_in_dim3A_65, %add3A_86 : vector<256x1xf32>
    %swap3A_88 = arith.constant 0 : index
    %swap3A_89 = arith.constant 0 : index
    %swap3A_90 = vector.load %arg11[%swap3A_88, %swap3A_89] : memref<256x1xf32, #tpu.memory_space<vmem>>, vector<256x1xf32>
    tpu.vector_store %arg11[%swap3A_88, %swap3A_89], %div3A_87 {strides = array<i32>} : memref<256x1xf32, #tpu.memory_space<vmem>>, vector<256x1xf32>,
    %div3A_91 = arith.divf %broadcast_in_dim3A_77, %add3A_86 : vector<256x1xf32>
    %swap3A_92 = arith.constant 0 : index
    %swap3A_93 = arith.constant 0 : index
    %swap3A_94 = vector.load %arg12[%swap3A_92, %swap3A_93] : memref<256x1xf32, #tpu.memory_space<vmem>>, vector<256x1xf32>
    tpu.vector_store %arg12[%swap3A_92, %swap3A_93], %div3A_91 {strides = array<i32>} : memref<256x1xf32, #tpu.memory_space<vmem>>, vector<256x1xf32>,
    %eq3A_95 = arith.constant 0 : i32
    %eq3A_96 = arith.cmpi eq, %arg0, %eq3A_95 : i32
    %convert_element_type3A_97 = arith.extui %eq3A_96 : i1 to i32
    %cond3A = arith.constant 0 : i32
    %cond3A_98 = arith.cmpi ne, %convert_element_type3A_97, %cond3A : i32
    scf.if %cond3A_98 {
      %broadcast_in_dim3A_194 = arith.constant 0.000000e+00 : f32
      %broadcast_in_dim3A_195 = vector.broadcast %broadcast_in_dim3A_194 : f32 to vector<1x8xf32>
      %swap3A_196 = arith.constant 0 : index
      %swap3A_197 = arith.constant 0 : index
      %swap3A_198 = vector.load %arg18[%swap3A_196, %swap3A_197] : memref<1x8xf32, #tpu.memory_space<vmem>>, vector<1x8xf32>
      tpu.vector_store %arg18[%swap3A_196, %swap3A_197], %broadcast_in_dim3A_195 {strides = array<i32>} : memref<1x8xf32, #tpu.memory_space<vmem>>, vector<1x8xf32>,
      %broadcast_in_dim3A_199 = arith.constant 0.000000e+00 : f32
      %broadcast_in_dim3A_200 = vector.broadcast %broadcast_in_dim3A_199 : f32 to vector<1x8xf32>
      %swap3A_201 = arith.constant 0 : index
      %swap3A_202 = arith.constant 0 : index
      %swap3A_203 = vector.load %arg19[%swap3A_201, %swap3A_202] : memref<1x8xf32, #tpu.memory_space<vmem>>, vector<1x8xf32>
      tpu.vector_store %arg19[%swap3A_201, %swap3A_202], %broadcast_in_dim3A_200 {strides = array<i32>} : memref<1x8xf32, #tpu.memory_space<vmem>>, vector<1x8xf32>,
      %broadcast_in_dim3A_204 = arith.constant 0.000000e+00 : f32
      %broadcast_in_dim3A_205 = vector.broadcast %broadcast_in_dim3A_204 : f32 to vector<1x8xf32>
      %swap3A_206 = arith.constant 0 : index
      %swap3A_207 = arith.constant 0 : index
      %swap3A_208 = vector.load %arg20[%swap3A_206, %swap3A_207] : memref<1x8xf32, #tpu.memory_space<vmem>>, vector<1x8xf32>
      tpu.vector_store %arg20[%swap3A_206, %swap3A_207], %broadcast_in_dim3A_205 {strides = array<i32>} : memref<1x8xf32, #tpu.memory_space<vmem>>, vector<1x8xf32>,
    } else {
    }
    %get3A_99 = arith.constant 0 : index
    %get3A_100 = arith.constant 0 : index
    %get3A_101 = vector.load %arg18[%get3A_99, %get3A_100] : memref<1x8xf32, #tpu.memory_space<vmem>>, vector<1x8xf32>
    %reduce_sum3A_102 = arith.constant dense<0.000000e+00> : vector<8xf32>
    %reduce_sum3A_103 = vector.multi_reduction <add>, %div3A_62, %reduce_sum3A_102 [0] : vector<256x8xf32> to vector<8xf32>
    %broadcast_in_dim3A_104 = vector.shape_cast %reduce_sum3A_103 : vector<8xf32> to vector<1x8xf32>
    %add3A_105 = arith.addf %get3A_101, %broadcast_in_dim3A_104 : vector<1x8xf32>
    %swap3A_106 = arith.constant 0 : index
    %swap3A_107 = arith.constant 0 : index
    %swap3A_108 = vector.load %arg18[%swap3A_106, %swap3A_107] : memref<1x8xf32, #tpu.memory_space<vmem>>, vector<1x8xf32>
    tpu.vector_store %arg18[%swap3A_106, %swap3A_107], %add3A_105 {strides = array<i32>} : memref<1x8xf32, #tpu.memory_space<vmem>>, vector<1x8xf32>,
    %get3A_109 = arith.constant 0 : index
    %get3A_110 = arith.constant 0 : index
    %get3A_111 = vector.load %arg19[%get3A_109, %get3A_110] : memref<1x8xf32, #tpu.memory_space<vmem>>, vector<1x8xf32>
    %eq3A_112 = vector.broadcast %broadcast_in_dim3A_69 : vector<256x1xi32> to vector<256x8xi32>
    %eq3A_113 = arith.cmpi eq, %iota3A, %eq3A_112 : vector<256x8xi32>
    %convert_element_type3A_114 = arith.extui %eq3A_113 : vector<256x8xi1> to vector<256x8xi32>
    %convert_element_type3A_115 = arith.sitofp %convert_element_type3A_114 : vector<256x8xi32> to vector<256x8xf32>
    %reduce_sum3A_116 = arith.constant dense<0.000000e+00> : vector<8xf32>
    %reduce_sum3A_117 = vector.multi_reduction <add>, %convert_element_type3A_115, %reduce_sum3A_116 [0] : vector<256x8xf32> to vector<8xf32>
    %broadcast_in_dim3A_118 = vector.shape_cast %reduce_sum3A_117 : vector<8xf32> to vector<1x8xf32>
    %add3A_119 = arith.addf %get3A_111, %broadcast_in_dim3A_118 : vector<1x8xf32>
    %swap3A_120 = arith.constant 0 : index
    %swap3A_121 = arith.constant 0 : index
    %swap3A_122 = vector.load %arg19[%swap3A_120, %swap3A_121] : memref<1x8xf32, #tpu.memory_space<vmem>>, vector<1x8xf32>
    tpu.vector_store %arg19[%swap3A_120, %swap3A_121], %add3A_119 {strides = array<i32>} : memref<1x8xf32, #tpu.memory_space<vmem>>, vector<1x8xf32>,
    %div3A_123 = arith.constant 8.000000e+00 : f32
    %div3A_124 = arith.constant 0x4A800000 : f32
    %div3A_125 = arith.divf %div3A_123, %div3A_124 : f32
    %get3A_126 = arith.constant 0 : index
    %get3A_127 = arith.constant 0 : index
    %get3A_128 = vector.load %arg18[%get3A_126, %get3A_127] : memref<1x8xf32, #tpu.memory_space<vmem>>, vector<1x8xf32>
    %get3A_129 = arith.constant 0 : index
    %get3A_130 = arith.constant 0 : index
    %get3A_131 = vector.load %arg19[%get3A_129, %get3A_130] : memref<1x8xf32, #tpu.memory_space<vmem>>, vector<1x8xf32>
    %mul3A_132 = arith.mulf %get3A_128, %get3A_131 : vector<1x8xf32>
    %reduce_sum3A_133 = vector.shape_cast %mul3A_132 : vector<1x8xf32> to vector<1x1x8xf32>
    %reduce_sum3A_134 = arith.constant dense<0.000000e+00> : vector<1xf32>
    %reduce_sum3A_135 = vector.multi_reduction <add>, %reduce_sum3A_133, %reduce_sum3A_134 [1, 2] : vector<1x1x8xf32> to vector<1xf32>
    %reduce_sum3A_136 = vector.shape_cast %reduce_sum3A_135 : vector<1xf32> to vector<1x1x1xf32>
    %reduce_sum3A_137 = vector.extract %reduce_sum3A_136[0, 0, 0] : f32 from vector<1x1x1xf32>
    %broadcast_in_dim3A_138 = vector.broadcast %reduce_sum3A_137 : f32 to vector<1x1xf32>
    %mul3A_139 = vector.broadcast %div3A_125 : f32 to vector<1x1xf32>
    %mul3A_140 = arith.mulf %mul3A_139, %broadcast_in_dim3A_138 : vector<1x1xf32>
    %swap3A_141 = arith.constant 0 : index
    %swap3A_142 = arith.constant 0 : index
    %swap3A_143 = vector.load %arg13[%swap3A_141, %swap3A_142] : memref<1x1xf32, #tpu.memory_space<vmem>>, vector<1x1xf32>
    tpu.vector_store %arg13[%swap3A_141, %swap3A_142], %mul3A_140 {strides = array<i32>} : memref<1x1xf32, #tpu.memory_space<vmem>>, vector<1x1xf32>,
    %eq3A_144 = vector.broadcast %broadcast_in_dim3A_69 : vector<256x1xi32> to vector<256x8xi32>
    %eq3A_145 = arith.cmpi eq, %eq3A_144, %iota3A : vector<256x8xi32>
    %eq3A_146 = vector.broadcast %broadcast_in_dim3A_85 : vector<256x1xi32> to vector<256x8xi32>
    %eq3A_147 = arith.cmpi eq, %eq3A_146, %iota3A : vector<256x8xi32>
    %or3A = arith.ori %eq3A_145, %eq3A_147 : vector<256x8xi1>
    %convert_element_type3A_148 = arith.extui %or3A : vector<256x8xi1> to vector<256x8xi32>
    %convert_element_type3A_149 = arith.sitofp %convert_element_type3A_148 : vector<256x8xi32> to vector<256x8xf32>
    %convert_element_type3A_150 = arith.truncf %convert_element_type3A_149 : vector<256x8xf32> to vector<256x8xbf16>
    %iota3A_151 = tpu.iota {dimensions = array<i32: 0>} : vector<256x256xi32>
    %iota3A_152 = tpu.iota {dimensions = array<i32: 1>} : vector<256x256xi32>
    %lt3A = arith.cmpi slt, %iota3A_152, %iota3A_151 : vector<256x256xi32>
    %convert_element_type3A_153 = arith.extui %lt3A : vector<256x256xi1> to vector<256x256xi32>
    %convert_element_type3A_154 = arith.sitofp %convert_element_type3A_153 : vector<256x256xi32> to vector<256x256xf32>
    %convert_element_type3A_155 = arith.truncf %convert_element_type3A_154 : vector<256x256xf32> to vector<256x256xbf16>
    %dot_general3A_156 = arith.constant dense<0.000000e+00> : vector<256x8xf32>
    %dot_general3A_157 = tpu.matmul %convert_element_type3A_155, %convert_element_type3A_150, %dot_general3A_156 {dimension_numbers = #tpu.dot_dimension_numbers<[1], [0], [0], [1], [0, 0, 1, 1], [], []>, transpose_lhs_hint = false} : vector<256x256xbf16>, vector<256x8xbf16>, vector<256x8xf32> -> vector<256x8xf32>
    %get3A_158 = arith.constant 0 : index
    %get3A_159 = arith.constant 0 : index
    %get3A_160 = vector.load %arg20[%get3A_158, %get3A_159] : memref<1x8xf32, #tpu.memory_space<vmem>>, vector<1x8xf32>
    %add3A_161 = vector.broadcast %get3A_160 : vector<1x8xf32> to vector<256x8xf32>
    %add3A_162 = arith.addf %dot_general3A_157, %add3A_161 : vector<256x8xf32>
    %mul3A_163 = arith.constant 256 : i32
    %mul3A_164 = arith.muli %arg0, %mul3A_163 : i32
    %swap3A_165 = arith.index_cast %mul3A_164 : i32 to index
    %swap3A_166 = arith.constant 0 : index
    %swap3A_167 = vector.load %arg21[%swap3A_165, %swap3A_166] : memref<2048x8xf32, #tpu.memory_space<vmem>>, vector<256x8xf32>
    tpu.vector_store %arg21[%swap3A_165, %swap3A_166], %add3A_162 {strides = array<i32>} : memref<2048x8xf32, #tpu.memory_space<vmem>>, vector<256x8xf32>,
    %get3A_168 = arith.constant 0 : index
    %get3A_169 = arith.constant 0 : index
    %get3A_170 = vector.load %arg20[%get3A_168, %get3A_169] : memref<1x8xf32, #tpu.memory_space<vmem>>, vector<1x8xf32>
    %convert_element_type3A_171 = arith.extf %convert_element_type3A_150 : vector<256x8xbf16> to vector<256x8xf32>
    %reduce_sum3A_172 = arith.constant dense<0.000000e+00> : vector<8xf32>
    %reduce_sum3A_173 = vector.multi_reduction <add>, %convert_element_type3A_171, %reduce_sum3A_172 [0] : vector<256x8xf32> to vector<8xf32>
    %broadcast_in_dim3A_174 = vector.shape_cast %reduce_sum3A_173 : vector<8xf32> to vector<1x8xf32>
    %add3A_175 = arith.addf %get3A_170, %broadcast_in_dim3A_174 : vector<1x8xf32>
    %swap3A_176 = arith.constant 0 : index
    %swap3A_177 = arith.constant 0 : index
    %swap3A_178 = vector.load %arg20[%swap3A_176, %swap3A_177] : memref<1x8xf32, #tpu.memory_space<vmem>>, vector<1x8xf32>
    tpu.vector_store %arg20[%swap3A_176, %swap3A_177], %add3A_175 {strides = array<i32>} : memref<1x8xf32, #tpu.memory_space<vmem>>, vector<1x8xf32>,
    %mul3A_179 = arith.constant 256 : i32
    %mul3A_180 = arith.muli %arg0, %mul3A_179 : i32
    %swap3A_181 = arith.index_cast %mul3A_180 : i32 to index
    %swap3A_182 = arith.constant 0 : index
    %swap3A_183 = vector.load %arg22[%swap3A_181, %swap3A_182] : memref<2048x1xi32, #tpu.memory_space<vmem>>, vector<256x1xi32>
    tpu.vector_store %arg22[%swap3A_181, %swap3A_182], %broadcast_in_dim3A_69 {strides = array<i32>} : memref<2048x1xi32, #tpu.memory_space<vmem>>, vector<256x1xi32>,
    %mul3A_184 = arith.constant 256 : i32
    %mul3A_185 = arith.muli %arg0, %mul3A_184 : i32
    %swap3A_186 = arith.index_cast %mul3A_185 : i32 to index
    %swap3A_187 = arith.constant 0 : index
    %swap3A_188 = vector.load %arg23[%swap3A_186, %swap3A_187] : memref<2048x1xi32, #tpu.memory_space<vmem>>, vector<256x1xi32>
    tpu.vector_store %arg23[%swap3A_186, %swap3A_187], %broadcast_in_dim3A_85 {strides = array<i32>} : memref<2048x1xi32, #tpu.memory_space<vmem>>, vector<256x1xi32>,
    %eq3A_189 = arith.constant 7 : i32
    %eq3A_190 = arith.cmpi eq, %arg0, %eq3A_189 : i32
    %convert_element_type3A_191 = arith.extui %eq3A_190 : i1 to i32
    %cond3A_192 = arith.constant 0 : i32
    %cond3A_193 = arith.cmpi ne, %convert_element_type3A_191, %cond3A_192 : i32
    scf.if %cond3A_193 {
      %get3A_194 = arith.constant 0 : index
      %get3A_195 = arith.constant 0 : index
      %get3A_196 = vector.load %arg20[%get3A_194, %get3A_195] : memref<1x8xf32, #tpu.memory_space<vmem>>, vector<1x8xf32>
      %div3A_197 = arith.constant 2.560000e+02 : f32
      %div3A_198 = vector.broadcast %div3A_197 : f32 to vector<1x8xf32>
      %div3A_199 = arith.divf %get3A_196, %div3A_198 : vector<1x8xf32>
      %ceil3A = math.ceil %div3A_199 : vector<1x8xf32>
      %mul3A_200 = arith.constant 2.560000e+02 : f32
      %mul3A_201 = vector.broadcast %mul3A_200 : f32 to vector<1x8xf32>
      %mul3A_202 = arith.mulf %ceil3A, %mul3A_201 : vector<1x8xf32>
      %iota3A_203 = tpu.iota {dimensions = array<i32: 0>} : vector<8x8xi32>
      %iota3A_204 = tpu.iota {dimensions = array<i32: 1>} : vector<8x8xi32>
      %lt3A_205 = arith.cmpi slt, %iota3A_203, %iota3A_204 : vector<8x8xi32>
      %convert_element_type3A_206 = arith.extui %lt3A_205 : vector<8x8xi1> to vector<8x8xi32>
      %convert_element_type3A_207 = arith.sitofp %convert_element_type3A_206 : vector<8x8xi32> to vector<8x8xf32>
      %dot_general3A_208 = arith.constant dense<0.000000e+00> : vector<1x8xf32>
      %dot_general3A_209 = tpu.matmul %mul3A_202, %convert_element_type3A_207, %dot_general3A_208 {dimension_numbers = #tpu.dot_dimension_numbers<[1], [0], [0], [1], [0, 0, 1, 1], [], []>, transpose_lhs_hint = false} : vector<1x8xf32>, vector<8x8xf32>, vector<1x8xf32> -> vector<1x8xf32>
      %get3A_210 = arith.constant 0 : index
      %get3A_211 = arith.constant 0 : index
      %get3A_212 = vector.load %arg21[%get3A_210, %get3A_211] : memref<2048x8xf32, #tpu.memory_space<vmem>>, vector<2048x8xf32>
      %add3A_213 = vector.broadcast %dot_general3A_209 : vector<1x8xf32> to vector<2048x8xf32>
      %add3A_214 = arith.addf %add3A_213, %get3A_212 : vector<2048x8xf32>
      %iota3A_215 = tpu.iota {dimensions = array<i32: 1>} : vector<2048x8xi32>
      %get3A_216 = arith.constant 0 : index
      %get3A_217 = arith.constant 0 : index
      %get3A_218 = vector.load %arg22[%get3A_216, %get3A_217] : memref<2048x1xi32, #tpu.memory_space<vmem>>, vector<2048x1xi32>
      %get3A_219 = arith.constant 0 : index
      %get3A_220 = arith.constant 0 : index
      %get3A_221 = vector.load %arg23[%get3A_219, %get3A_220] : memref<2048x1xi32, #tpu.memory_space<vmem>>, vector<2048x1xi32>
      %eq3A_222 = vector.broadcast %get3A_218 : vector<2048x1xi32> to vector<2048x8xi32>
      %eq3A_223 = arith.cmpi eq, %eq3A_222, %iota3A_215 : vector<2048x8xi32>
      %jit3A_224 = arith.constant 0.000000e+00 : f32
      %broadcast_in_dim3A_225 = vector.broadcast %jit3A_224 : f32 to vector<2048x8xf32>
      %select_n3A_226 = arith.select %eq3A_223, %add3A_214, %broadcast_in_dim3A_225 : vector<2048x8xi1>, vector<2048x8xf32>
      %reduce_sum3A_227 = arith.constant dense<0.000000e+00> : vector<2048xf32>
      %reduce_sum3A_228 = vector.multi_reduction <add>, %select_n3A_226, %reduce_sum3A_227 [1] : vector<2048x8xf32> to vector<2048xf32>
      %broadcast_in_dim3A_229 = vector.shape_cast %reduce_sum3A_228 : vector<2048xf32> to vector<2048x1xf32>
      %eq3A_230 = vector.broadcast %get3A_221 : vector<2048x1xi32> to vector<2048x8xi32>
      %eq3A_231 = arith.cmpi eq, %eq3A_230, %iota3A_215 : vector<2048x8xi32>
      %jit3A_232 = arith.constant 0.000000e+00 : f32
      %broadcast_in_dim3A_233 = vector.broadcast %jit3A_232 : f32 to vector<2048x8xf32>
      %select_n3A_234 = arith.select %eq3A_231, %add3A_214, %broadcast_in_dim3A_233 : vector<2048x8xi1>, vector<2048x8xf32>
      %reduce_sum3A_235 = arith.constant dense<0.000000e+00> : vector<2048xf32>
      %reduce_sum3A_236 = vector.multi_reduction <add>, %select_n3A_234, %reduce_sum3A_235 [1] : vector<2048x8xf32> to vector<2048xf32>
      %broadcast_in_dim3A_237 = vector.shape_cast %reduce_sum3A_236 : vector<2048xf32> to vector<2048x1xf32>
      %convert_element_type3A_238 = arith.fptosi %broadcast_in_dim3A_229 : vector<2048x1xf32> to vector<2048x1xi32>
      %swap3A_239 = arith.constant 0 : index
      %swap3A_240 = arith.constant 0 : index
      %swap3A_241 = vector.load %arg14[%swap3A_239, %swap3A_240] : memref<2048x1xi32, #tpu.memory_space<vmem>>, vector<2048x1xi32>
      tpu.vector_store %arg14[%swap3A_239, %swap3A_240], %convert_element_type3A_238 {strides = array<i32>} : memref<2048x1xi32, #tpu.memory_space<vmem>>, vector<2048x1xi32>,
      %convert_element_type3A_242 = arith.fptosi %broadcast_in_dim3A_237 : vector<2048x1xf32> to vector<2048x1xi32>
      %swap3A_243 = arith.constant 0 : index
      %swap3A_244 = arith.constant 0 : index
      %swap3A_245 = vector.load %arg15[%swap3A_243, %swap3A_244] : memref<2048x1xi32, #tpu.memory_space<vmem>>, vector<2048x1xi32>
      tpu.vector_store %arg15[%swap3A_243, %swap3A_244], %convert_element_type3A_242 {strides = array<i32>} : memref<2048x1xi32, #tpu.memory_space<vmem>>, vector<2048x1xi32>,
      %iota3A_246 = tpu.iota {dimensions = array<i32: 1>} : vector<1x128xi32>
      %convert_element_type3A_247 = arith.sitofp %iota3A_246 : vector<1x128xi32> to vector<1x128xf32>
      %broadcast_in_dim3A_248 = arith.constant 0.000000e+00 : f32
      %broadcast_in_dim3A_249 = vector.broadcast %broadcast_in_dim3A_248 : f32 to vector<1x128xf32>
      %slice3A = vector.extract_strided_slice %dot_general3A_209 {offsets = [0, 0], sizes = [1, 1], strides = [1, 1]} : vector<1x8xf32> to vector<1x1xf32>
      %squeeze3A = vector.extract %slice3A[0, 0] : f32 from vector<1x1xf32>
      %div3A_250 = arith.constant 2.560000e+02 : f32
      %div3A_251 = arith.divf %squeeze3A, %div3A_250 : f32
      %ge3A = vector.broadcast %div3A_251 : f32 to vector<1x128xf32>
      %ge3A_252 = arith.cmpf oge, %convert_element_type3A_247, %ge3A : vector<1x128xf32>
      %convert_element_type3A_253 = arith.extui %ge3A_252 : vector<1x128xi1> to vector<1x128xi32>
      %convert_element_type3A_254 = arith.sitofp %convert_element_type3A_253 : vector<1x128xi32> to vector<1x128xf32>
      %add3A_255 = arith.addf %broadcast_in_dim3A_249, %convert_element_type3A_254 : vector<1x128xf32>
      %slice3A_256 = vector.extract_strided_slice %dot_general3A_209 {offsets = [0, 1], sizes = [1, 1], strides = [1, 1]} : vector<1x8xf32> to vector<1x1xf32>
      %squeeze3A_257 = vector.extract %slice3A_256[0, 0] : f32 from vector<1x1xf32>
      %div3A_258 = arith.constant 2.560000e+02 : f32
      %div3A_259 = arith.divf %squeeze3A_257, %div3A_258 : f32
      %ge3A_260 = vector.broadcast %div3A_259 : f32 to vector<1x128xf32>
      %ge3A_261 = arith.cmpf oge, %convert_element_type3A_247, %ge3A_260 : vector<1x128xf32>
      %convert_element_type3A_262 = arith.extui %ge3A_261 : vector<1x128xi1> to vector<1x128xi32>
      %convert_element_type3A_263 = arith.sitofp %convert_element_type3A_262 : vector<1x128xi32> to vector<1x128xf32>
      %add3A_264 = arith.addf %add3A_255, %convert_element_type3A_263 : vector<1x128xf32>
      %slice3A_265 = vector.extract_strided_slice %dot_general3A_209 {offsets = [0, 2], sizes = [1, 1], strides = [1, 1]} : vector<1x8xf32> to vector<1x1xf32>
      %squeeze3A_266 = vector.extract %slice3A_265[0, 0] : f32 from vector<1x1xf32>
      %div3A_267 = arith.constant 2.560000e+02 : f32
      %div3A_268 = arith.divf %squeeze3A_266, %div3A_267 : f32
      %ge3A_269 = vector.broadcast %div3A_268 : f32 to vector<1x128xf32>
      %ge3A_270 = arith.cmpf oge, %convert_element_type3A_247, %ge3A_269 : vector<1x128xf32>
      %convert_element_type3A_271 = arith.extui %ge3A_270 : vector<1x128xi1> to vector<1x128xi32>
      %convert_element_type3A_272 = arith.sitofp %convert_element_type3A_271 : vector<1x128xi32> to vector<1x128xf32>
      %add3A_273 = arith.addf %add3A_264, %convert_element_type3A_272 : vector<1x128xf32>
      %slice3A_274 = vector.extract_strided_slice %dot_general3A_209 {offsets = [0, 3], sizes = [1, 1], strides = [1, 1]} : vector<1x8xf32> to vector<1x1xf32>
      %squeeze3A_275 = vector.extract %slice3A_274[0, 0] : f32 from vector<1x1xf32>
      %div3A_276 = arith.constant 2.560000e+02 : f32
      %div3A_277 = arith.divf %squeeze3A_275, %div3A_276 : f32
      %ge3A_278 = vector.broadcast %div3A_277 : f32 to vector<1x128xf32>
      %ge3A_279 = arith.cmpf oge, %convert_element_type3A_247, %ge3A_278 : vector<1x128xf32>
      %convert_element_type3A_280 = arith.extui %ge3A_279 : vector<1x128xi1> to vector<1x128xi32>
      %convert_element_type3A_281 = arith.sitofp %convert_element_type3A_280 : vector<1x128xi32> to vector<1x128xf32>
      %add3A_282 = arith.addf %add3A_273, %convert_element_type3A_281 : vector<1x128xf32>
      %slice3A_283 = vector.extract_strided_slice %dot_general3A_209 {offsets = [0, 4], sizes = [1, 1], strides = [1, 1]} : vector<1x8xf32> to vector<1x1xf32>
      %squeeze3A_284 = vector.extract %slice3A_283[0, 0] : f32 from vector<1x1xf32>
      %div3A_285 = arith.constant 2.560000e+02 : f32
      %div3A_286 = arith.divf %squeeze3A_284, %div3A_285 : f32
      %ge3A_287 = vector.broadcast %div3A_286 : f32 to vector<1x128xf32>
      %ge3A_288 = arith.cmpf oge, %convert_element_type3A_247, %ge3A_287 : vector<1x128xf32>
      %convert_element_type3A_289 = arith.extui %ge3A_288 : vector<1x128xi1> to vector<1x128xi32>
      %convert_element_type3A_290 = arith.sitofp %convert_element_type3A_289 : vector<1x128xi32> to vector<1x128xf32>
      %add3A_291 = arith.addf %add3A_282, %convert_element_type3A_290 : vector<1x128xf32>
      %slice3A_292 = vector.extract_strided_slice %dot_general3A_209 {offsets = [0, 5], sizes = [1, 1], strides = [1, 1]} : vector<1x8xf32> to vector<1x1xf32>
      %squeeze3A_293 = vector.extract %slice3A_292[0, 0] : f32 from vector<1x1xf32>
      %div3A_294 = arith.constant 2.560000e+02 : f32
      %div3A_295 = arith.divf %squeeze3A_293, %div3A_294 : f32
      %ge3A_296 = vector.broadcast %div3A_295 : f32 to vector<1x128xf32>
      %ge3A_297 = arith.cmpf oge, %convert_element_type3A_247, %ge3A_296 : vector<1x128xf32>
      %convert_element_type3A_298 = arith.extui %ge3A_297 : vector<1x128xi1> to vector<1x128xi32>
      %convert_element_type3A_299 = arith.sitofp %convert_element_type3A_298 : vector<1x128xi32> to vector<1x128xf32>
      %add3A_300 = arith.addf %add3A_291, %convert_element_type3A_299 : vector<1x128xf32>
      %slice3A_301 = vector.extract_strided_slice %dot_general3A_209 {offsets = [0, 6], sizes = [1, 1], strides = [1, 1]} : vector<1x8xf32> to vector<1x1xf32>
      %squeeze3A_302 = vector.extract %slice3A_301[0, 0] : f32 from vector<1x1xf32>
      %div3A_303 = arith.constant 2.560000e+02 : f32
      %div3A_304 = arith.divf %squeeze3A_302, %div3A_303 : f32
      %ge3A_305 = vector.broadcast %div3A_304 : f32 to vector<1x128xf32>
      %ge3A_306 = arith.cmpf oge, %convert_element_type3A_247, %ge3A_305 : vector<1x128xf32>
      %convert_element_type3A_307 = arith.extui %ge3A_306 : vector<1x128xi1> to vector<1x128xi32>
      %convert_element_type3A_308 = arith.sitofp %convert_element_type3A_307 : vector<1x128xi32> to vector<1x128xf32>
      %add3A_309 = arith.addf %add3A_300, %convert_element_type3A_308 : vector<1x128xf32>
      %slice3A_310 = vector.extract_strided_slice %dot_general3A_209 {offsets = [0, 7], sizes = [1, 1], strides = [1, 1]} : vector<1x8xf32> to vector<1x1xf32>
      %squeeze3A_311 = vector.extract %slice3A_310[0, 0] : f32 from vector<1x1xf32>
      %div3A_312 = arith.constant 2.560000e+02 : f32
      %div3A_313 = arith.divf %squeeze3A_311, %div3A_312 : f32
      %ge3A_314 = vector.broadcast %div3A_313 : f32 to vector<1x128xf32>
      %ge3A_315 = arith.cmpf oge, %convert_element_type3A_247, %ge3A_314 : vector<1x128xf32>
      %convert_element_type3A_316 = arith.extui %ge3A_315 : vector<1x128xi1> to vector<1x128xi32>
      %convert_element_type3A_317 = arith.sitofp %convert_element_type3A_316 : vector<1x128xi32> to vector<1x128xf32>
      %add3A_318 = arith.addf %add3A_309, %convert_element_type3A_317 : vector<1x128xf32>
      %sub3A_319 = arith.constant 1.000000e+00 : f32
      %sub3A_320 = vector.broadcast %sub3A_319 : f32 to vector<1x128xf32>
      %sub3A_321 = arith.subf %add3A_318, %sub3A_320 : vector<1x128xf32>
      %convert_element_type3A_322 = arith.fptosi %sub3A_321 : vector<1x128xf32> to vector<1x128xi32>
      %swap3A_323 = arith.constant 0 : index
      %swap3A_324 = arith.constant 0 : index
      %swap3A_325 = vector.load %arg16[%swap3A_323, %swap3A_324] : memref<1x128xi32, #tpu.memory_space<vmem>>, vector<1x128xi32>
      tpu.vector_store %arg16[%swap3A_323, %swap3A_324], %convert_element_type3A_322 {strides = array<i32>} : memref<1x128xi32, #tpu.memory_space<vmem>>, vector<1x128xi32>,
      %slice3A_326 = vector.extract_strided_slice %dot_general3A_209 {offsets = [0, 7], sizes = [1, 1], strides = [1, 1]} : vector<1x8xf32> to vector<1x1xf32>
      %squeeze3A_327 = vector.extract %slice3A_326[0, 0] : f32 from vector<1x1xf32>
      %slice3A_328 = vector.extract_strided_slice %mul3A_202 {offsets = [0, 7], sizes = [1, 1], strides = [1, 1]} : vector<1x8xf32> to vector<1x1xf32>
      %squeeze3A_329 = vector.extract %slice3A_328[0, 0] : f32 from vector<1x1xf32>
      %add3A_330 = arith.addf %squeeze3A_327, %squeeze3A_329 : f32
      %div3A_331 = arith.constant 2.560000e+02 : f32
      %div3A_332 = arith.divf %add3A_330, %div3A_331 : f32
      %broadcast_in_dim3A_333 = vector.broadcast %div3A_332 : f32 to vector<1x1xf32>
      %convert_element_type3A_334 = arith.fptosi %broadcast_in_dim3A_333 : vector<1x1xf32> to vector<1x1xi32>
      %swap3A_335 = arith.constant 0 : index
      %swap3A_336 = arith.constant 0 : index
      %swap3A_337 = vector.load %arg17[%swap3A_335, %swap3A_336] : memref<1x1xi32, #tpu.memory_space<vmem>>, vector<1x1xi32>
      tpu.vector_store %arg17[%swap3A_335, %swap3A_336], %convert_element_type3A_334 {strides = array<i32>} : memref<1x1xi32, #tpu.memory_space<vmem>>, vector<1x1xi32>,
    } else {
    }
    return
  }
  func.func @transform_0(%arg0: i32) -> (i32, i32) {
    %c0_i32 = arith.constant 0 : i32
    %c0_i32_0 = arith.constant 0 : i32
    return %arg0, %c0_i32 : i32, i32
  }
  func.func @transform_1(%arg0: i32) -> (i32, i32) {
    %c0_i32 = arith.constant 0 : i32
    %c0_i32_0 = arith.constant 0 : i32
    %c0_i32_1 = arith.constant 0 : i32
    return %c0_i32, %c0_i32_0 : i32, i32
  }
  func.func @transform_2(%arg0: i32) -> (i32, i32) {
    %c0_i32 = arith.constant 0 : i32
    %c0_i32_0 = arith.constant 0 : i32
    %c0_i32_1 = arith.constant 0 : i32
    return %c0_i32, %c0_i32_0 : i32, i32
  }
  func.func @transform_3(%arg0: i32) -> (i32, i32) {
    %c0_i32 = arith.constant 0 : i32
    %c0_i32_0 = arith.constant 0 : i32
    return %arg0, %c0_i32 : i32, i32
  }
  func.func @transform_4(%arg0: i32) -> (i32, i32) {
    %c0_i32 = arith.constant 0 : i32
    %c0_i32_0 = arith.constant 0 : i32
    %c0_i32_1 = arith.constant 0 : i32
    return %c0_i32, %c0_i32_0 : i32, i32
  }
  func.func @transform_5(%arg0: i32) -> (i32, i32) {
    %c0_i32 = arith.constant 0 : i32
    %c0_i32_0 = arith.constant 0 : i32
    %c0_i32_1 = arith.constant 0 : i32
    return %c0_i32, %c0_i32_0 : i32, i32
  }
  func.func @transform_6(%arg0: i32) -> (i32, i32) {
    %c0_i32 = arith.constant 0 : i32
    %c0_i32_0 = arith.constant 0 : i32
    %c0_i32_1 = arith.constant 0 : i32
    return %c0_i32, %c0_i32_0 : i32, i32
  }
  func.func @transform_7(%arg0: i32) -> (i32, i32) {
    %c0_i32 = arith.constant 0 : i32
    %c0_i32_0 = arith.constant 0 : i32
    %c0_i32_1 = arith.constant 0 : i32
    return %c0_i32, %c0_i32_0 : i32, i32
  }
  func.func @transform_8(%arg0: i32) -> (i32, i32) {
    %c0_i32 = arith.constant 0 : i32
    %c0_i32_0 = arith.constant 0 : i32
    return %arg0, %c0_i32 : i32, i32
  }
  func.func @transform_9(%arg0: i32) -> (i32, i32) {
    %c0_i32 = arith.constant 0 : i32
    %c0_i32_0 = arith.constant 0 : i32
    return %arg0, %c0_i32 : i32, i32
  }
  func.func @transform_10(%arg0: i32) -> (i32, i32) {
    %c0_i32 = arith.constant 0 : i32
    %c0_i32_0 = arith.constant 0 : i32
    return %arg0, %c0_i32 : i32, i32
  }
  func.func @transform_11(%arg0: i32) -> (i32, i32) {
    %c0_i32 = arith.constant 0 : i32
    %c0_i32_0 = arith.constant 0 : i32
    return %arg0, %c0_i32 : i32, i32
  }
  func.func @transform_12(%arg0: i32) -> (i32, i32) {
    %c0_i32 = arith.constant 0 : i32
    %c0_i32_0 = arith.constant 0 : i32
    %c0_i32_1 = arith.constant 0 : i32
    return %c0_i32, %c0_i32_0 : i32, i32
  }
  func.func @transform_13(%arg0: i32) -> (i32, i32) {
    %c0_i32 = arith.constant 0 : i32
    %c0_i32_0 = arith.constant 0 : i32
    %c0_i32_1 = arith.constant 0 : i32
    return %c0_i32, %c0_i32_0 : i32, i32
  }
  func.func @transform_14(%arg0: i32) -> (i32, i32) {
    %c0_i32 = arith.constant 0 : i32
    %c0_i32_0 = arith.constant 0 : i32
    %c0_i32_1 = arith.constant 0 : i32
    return %c0_i32, %c0_i32_0 : i32, i32
  }
  func.func @transform_15(%arg0: i32) -> (i32, i32) {
    %c0_i32 = arith.constant 0 : i32
    %c0_i32_0 = arith.constant 0 : i32
    %c0_i32_1 = arith.constant 0 : i32
    return %c0_i32, %c0_i32_0 : i32, i32
  }
  func.func @transform_16(%arg0: i32) -> (i32, i32) {
    %c0_i32 = arith.constant 0 : i32
    %c0_i32_0 = arith.constant 0 : i32
    %c0_i32_1 = arith.constant 0 : i32
    return %c0_i32, %c0_i32_0 : i32, i32
  }
}

module attributes {stable_mosaic.version = 14 : i64} {
  func.func @_ffn_body(%arg0: i32, %arg1: memref<128xi32, #tpu.memory_space<smem>>, %arg2: memref<1xi32, #tpu.memory_space<smem>>, %arg3: memref<256x1024xf32, #tpu.memory_space<vmem>>, %arg4: memref<1x2048x1024xbf16, #tpu.memory_space<vmem>>, %arg5: memref<1x1x2048xf32, #tpu.memory_space<vmem>>, %arg6: memref<1x1024x2048xbf16, #tpu.memory_space<vmem>>, %arg7: memref<1x1x1024xf32, #tpu.memory_space<vmem>>, %arg8: memref<256x1024xf32, #tpu.memory_space<vmem>>) attributes {dimension_semantics = [#tpu.dimension_semantics<arbitrary>], iteration_bounds = array<i64: 24>, scalar_prefetch = 2 : i64, scratch_operands = 0 : i64, tpu.core_type = #tpu.core_type<tc>, window_params = [{transform_indices = @transform_0, window_bounds = array<i64: 256, 1024>}, {transform_indices = @transform_1, window_bounds = array<i64: 1, 2048, 1024>}, {transform_indices = @transform_2, window_bounds = array<i64: 1, 1, 2048>}, {transform_indices = @transform_3, window_bounds = array<i64: 1, 1024, 2048>}, {transform_indices = @transform_4, window_bounds = array<i64: 1, 1, 1024>}, {transform_indices = @transform_5, window_bounds = array<i64: 256, 1024>}]} {
    %get3A = arith.constant 0 : index
    %get3A_0 = memref.load %arg2[%get3A] : memref<1xi32, #tpu.memory_space<smem>>
    %lt3A = arith.cmpi slt, %arg0, %get3A_0 : i32
    %convert_element_type3A = arith.extui %lt3A : i1 to i32
    %cond3A = arith.constant 0 : i32
    %cond3A_1 = arith.cmpi ne, %convert_element_type3A, %cond3A : i32
    scf.if %cond3A_1 {
      %get3A_2 = arith.constant 0 : index
      %get3A_3 = arith.constant 0 : index
      %get3A_4 = vector.load %arg3[%get3A_2, %get3A_3] : memref<256x1024xf32, #tpu.memory_space<vmem>>, vector<256x1024xf32>
      %convert_element_type3A_5 = arith.truncf %get3A_4 : vector<256x1024xf32> to vector<256x1024xbf16>
      %get3A_6 = arith.constant 0 : index
      %get3A_7 = arith.constant 0 : index
      %get3A_8 = arith.constant 0 : index
      %get3A_9 = vector.load %arg4[%get3A_6, %get3A_7, %get3A_8] : memref<1x2048x1024xbf16, #tpu.memory_space<vmem>>, vector<1x2048x1024xbf16>
      %get3A_10 = vector.shape_cast %get3A_9 : vector<1x2048x1024xbf16> to vector<2048x1024xbf16>
      %dot_general3A = arith.constant dense<0.000000e+00> : vector<256x2048xf32>
      %dot_general3A_11 = tpu.matmul %convert_element_type3A_5, %get3A_10, %dot_general3A {dimension_numbers = #tpu.dot_dimension_numbers<[1], [1], [0], [0], [0, 0, 1, 0], [], []>, transpose_lhs_hint = false} : vector<256x1024xbf16>, vector<2048x1024xbf16>, vector<256x2048xf32> -> vector<256x2048xf32>
      %get3A_12 = arith.constant 0 : index
      %get3A_13 = arith.constant 0 : index
      %get3A_14 = arith.constant 0 : index
      %get3A_15 = vector.load %arg5[%get3A_12, %get3A_13, %get3A_14] : memref<1x1x2048xf32, #tpu.memory_space<vmem>>, vector<1x1x2048xf32>
      %get3A_16 = vector.shape_cast %get3A_15 : vector<1x1x2048xf32> to vector<1x2048xf32>
      %add3A = vector.broadcast %get3A_16 : vector<1x2048xf32> to vector<256x2048xf32>
      %add3A_17 = arith.addf %dot_general3A_11, %add3A : vector<256x2048xf32>
      %mul3A = arith.constant 5.000000e-01 : f32
      %mul3A_18 = vector.broadcast %mul3A : f32 to vector<256x2048xf32>
      %mul3A_19 = arith.mulf %add3A_17, %mul3A_18 : vector<256x2048xf32>
      %mul3A_20 = arith.constant 0.707106769 : f32
      %mul3A_21 = vector.broadcast %mul3A_20 : f32 to vector<256x2048xf32>
      %mul3A_22 = arith.mulf %add3A_17, %mul3A_21 : vector<256x2048xf32>
      %erf3A = math.erf %mul3A_22 : vector<256x2048xf32>
      %add3A_23 = arith.constant 1.000000e+00 : f32
      %add3A_24 = vector.broadcast %add3A_23 : f32 to vector<256x2048xf32>
      %add3A_25 = arith.addf %add3A_24, %erf3A : vector<256x2048xf32>
      %mul3A_26 = arith.mulf %mul3A_19, %add3A_25 : vector<256x2048xf32>
      %convert_element_type3A_27 = arith.truncf %mul3A_26 : vector<256x2048xf32> to vector<256x2048xbf16>
      %get3A_28 = arith.constant 0 : index
      %get3A_29 = arith.constant 0 : index
      %get3A_30 = arith.constant 0 : index
      %get3A_31 = vector.load %arg6[%get3A_28, %get3A_29, %get3A_30] : memref<1x1024x2048xbf16, #tpu.memory_space<vmem>>, vector<1x1024x2048xbf16>
      %get3A_32 = vector.shape_cast %get3A_31 : vector<1x1024x2048xbf16> to vector<1024x2048xbf16>
      %dot_general3A_33 = arith.constant dense<0.000000e+00> : vector<256x1024xf32>
      %dot_general3A_34 = tpu.matmul %convert_element_type3A_27, %get3A_32, %dot_general3A_33 {dimension_numbers = #tpu.dot_dimension_numbers<[1], [1], [0], [0], [0, 0, 1, 0], [], []>, transpose_lhs_hint = false} : vector<256x2048xbf16>, vector<1024x2048xbf16>, vector<256x1024xf32> -> vector<256x1024xf32>
      %get3A_35 = arith.constant 0 : index
      %get3A_36 = arith.constant 0 : index
      %get3A_37 = arith.constant 0 : index
      %get3A_38 = vector.load %arg7[%get3A_35, %get3A_36, %get3A_37] : memref<1x1x1024xf32, #tpu.memory_space<vmem>>, vector<1x1x1024xf32>
      %get3A_39 = vector.shape_cast %get3A_38 : vector<1x1x1024xf32> to vector<1x1024xf32>
      %add3A_40 = vector.broadcast %get3A_39 : vector<1x1024xf32> to vector<256x1024xf32>
      %add3A_41 = arith.addf %dot_general3A_34, %add3A_40 : vector<256x1024xf32>
      %swap3A = arith.constant 0 : index
      %swap3A_42 = arith.constant 0 : index
      %swap3A_43 = vector.load %arg8[%swap3A, %swap3A_42] : memref<256x1024xf32, #tpu.memory_space<vmem>>, vector<256x1024xf32>
      tpu.vector_store %arg8[%swap3A, %swap3A_42], %add3A_41 {strides = array<i32>} : memref<256x1024xf32, #tpu.memory_space<vmem>>, vector<256x1024xf32>,
    } else {
    }
    return
  }
  func.func @transform_0(%arg0: i32, %arg1: memref<128xi32, #tpu.memory_space<smem>>, %arg2: memref<1xi32, #tpu.memory_space<smem>>) -> (i32, i32) {
    %c0_i32 = arith.constant 0 : i32
    %c0_i32_0 = arith.constant 0 : i32
    return %arg0, %c0_i32 : i32, i32
  }
  func.func @transform_1(%arg0: i32, %arg1: memref<128xi32, #tpu.memory_space<smem>>, %arg2: memref<1xi32, #tpu.memory_space<smem>>) -> (i32, i32, i32) {
    %get3A = arith.index_cast %arg0 : i32 to index
    %get3A_0 = memref.load %arg1[%get3A] : memref<128xi32, #tpu.memory_space<smem>>
    %c0_i32 = arith.constant 0 : i32
    %c0_i32_1 = arith.constant 0 : i32
    %c0_i32_2 = arith.constant 0 : i32
    return %get3A_0, %c0_i32, %c0_i32_1 : i32, i32, i32
  }
  func.func @transform_2(%arg0: i32, %arg1: memref<128xi32, #tpu.memory_space<smem>>, %arg2: memref<1xi32, #tpu.memory_space<smem>>) -> (i32, i32, i32) {
    %get3A = arith.index_cast %arg0 : i32 to index
    %get3A_0 = memref.load %arg1[%get3A] : memref<128xi32, #tpu.memory_space<smem>>
    %c0_i32 = arith.constant 0 : i32
    %c0_i32_1 = arith.constant 0 : i32
    %c0_i32_2 = arith.constant 0 : i32
    return %get3A_0, %c0_i32, %c0_i32_1 : i32, i32, i32
  }
  func.func @transform_3(%arg0: i32, %arg1: memref<128xi32, #tpu.memory_space<smem>>, %arg2: memref<1xi32, #tpu.memory_space<smem>>) -> (i32, i32, i32) {
    %get3A = arith.index_cast %arg0 : i32 to index
    %get3A_0 = memref.load %arg1[%get3A] : memref<128xi32, #tpu.memory_space<smem>>
    %c0_i32 = arith.constant 0 : i32
    %c0_i32_1 = arith.constant 0 : i32
    %c0_i32_2 = arith.constant 0 : i32
    return %get3A_0, %c0_i32, %c0_i32_1 : i32, i32, i32
  }
  func.func @transform_4(%arg0: i32, %arg1: memref<128xi32, #tpu.memory_space<smem>>, %arg2: memref<1xi32, #tpu.memory_space<smem>>) -> (i32, i32, i32) {
    %get3A = arith.index_cast %arg0 : i32 to index
    %get3A_0 = memref.load %arg1[%get3A] : memref<128xi32, #tpu.memory_space<smem>>
    %c0_i32 = arith.constant 0 : i32
    %c0_i32_1 = arith.constant 0 : i32
    %c0_i32_2 = arith.constant 0 : i32
    return %get3A_0, %c0_i32, %c0_i32_1 : i32, i32, i32
  }
  func.func @transform_5(%arg0: i32, %arg1: memref<128xi32, #tpu.memory_space<smem>>, %arg2: memref<1xi32, #tpu.memory_space<smem>>) -> (i32, i32) {
    %c0_i32 = arith.constant 0 : i32
    %c0_i32_0 = arith.constant 0 : i32
    return %arg0, %c0_i32 : i32, i32
  }
}

module attributes {stable_mosaic.version = 14 : i64} {
  func.func @_combine_body(%arg0: i32, %arg1: memref<256x1024xf32, #tpu.memory_space<vmem>>, %arg2: memref<256x1024xf32, #tpu.memory_space<vmem>>, %arg3: memref<256x1024xf32, #tpu.memory_space<vmem>>, %arg4: memref<256x1xf32, #tpu.memory_space<vmem>>, %arg5: memref<256x1xf32, #tpu.memory_space<vmem>>, %arg6: memref<256x1024xf32, #tpu.memory_space<vmem>>) attributes {dimension_semantics = [#tpu.dimension_semantics<arbitrary>], iteration_bounds = array<i64: 8>, scalar_prefetch = 0 : i64, scratch_operands = 0 : i64, tpu.core_type = #tpu.core_type<tc>, window_params = [{transform_indices = @transform_0, window_bounds = array<i64: 256, 1024>}, {transform_indices = @transform_1, window_bounds = array<i64: 256, 1024>}, {transform_indices = @transform_2, window_bounds = array<i64: 256, 1024>}, {transform_indices = @transform_3, window_bounds = array<i64: 256, 1>}, {transform_indices = @transform_4, window_bounds = array<i64: 256, 1>}, {transform_indices = @transform_5, window_bounds = array<i64: 256, 1024>}]} {
    %get3A = arith.constant 0 : index
    %get3A_0 = arith.constant 0 : index
    %get3A_1 = vector.load %arg1[%get3A, %get3A_0] : memref<256x1024xf32, #tpu.memory_space<vmem>>, vector<256x1024xf32>
    %get3A_2 = arith.constant 0 : index
    %get3A_3 = arith.constant 0 : index
    %get3A_4 = vector.load %arg4[%get3A_2, %get3A_3] : memref<256x1xf32, #tpu.memory_space<vmem>>, vector<256x1xf32>
    %get3A_5 = arith.constant 0 : index
    %get3A_6 = arith.constant 0 : index
    %get3A_7 = vector.load %arg2[%get3A_5, %get3A_6] : memref<256x1024xf32, #tpu.memory_space<vmem>>, vector<256x1024xf32>
    %mul3A = vector.broadcast %get3A_4 : vector<256x1xf32> to vector<256x1024xf32>
    %mul3A_8 = arith.mulf %mul3A, %get3A_7 : vector<256x1024xf32>
    %add3A = arith.addf %get3A_1, %mul3A_8 : vector<256x1024xf32>
    %get3A_9 = arith.constant 0 : index
    %get3A_10 = arith.constant 0 : index
    %get3A_11 = vector.load %arg5[%get3A_9, %get3A_10] : memref<256x1xf32, #tpu.memory_space<vmem>>, vector<256x1xf32>
    %get3A_12 = arith.constant 0 : index
    %get3A_13 = arith.constant 0 : index
    %get3A_14 = vector.load %arg3[%get3A_12, %get3A_13] : memref<256x1024xf32, #tpu.memory_space<vmem>>, vector<256x1024xf32>
    %mul3A_15 = vector.broadcast %get3A_11 : vector<256x1xf32> to vector<256x1024xf32>
    %mul3A_16 = arith.mulf %mul3A_15, %get3A_14 : vector<256x1024xf32>
    %add3A_17 = arith.addf %add3A, %mul3A_16 : vector<256x1024xf32>
    %swap3A = arith.constant 0 : index
    %swap3A_18 = arith.constant 0 : index
    %swap3A_19 = vector.load %arg6[%swap3A, %swap3A_18] : memref<256x1024xf32, #tpu.memory_space<vmem>>, vector<256x1024xf32>
    tpu.vector_store %arg6[%swap3A, %swap3A_18], %add3A_17 {strides = array<i32>} : memref<256x1024xf32, #tpu.memory_space<vmem>>, vector<256x1024xf32>,
    return
  }
  func.func @transform_0(%arg0: i32) -> (i32, i32) {
    %c0_i32 = arith.constant 0 : i32
    %c0_i32_0 = arith.constant 0 : i32
    return %arg0, %c0_i32 : i32, i32
  }
  func.func @transform_1(%arg0: i32) -> (i32, i32) {
    %c0_i32 = arith.constant 0 : i32
    %c0_i32_0 = arith.constant 0 : i32
    return %arg0, %c0_i32 : i32, i32
  }
  func.func @transform_2(%arg0: i32) -> (i32, i32) {
    %c0_i32 = arith.constant 0 : i32
    %c0_i32_0 = arith.constant 0 : i32
    return %arg0, %c0_i32 : i32, i32
  }
  func.func @transform_3(%arg0: i32) -> (i32, i32) {
    %c0_i32 = arith.constant 0 : i32
    %c0_i32_0 = arith.constant 0 : i32
    return %arg0, %c0_i32 : i32, i32
  }
  func.func @transform_4(%arg0: i32) -> (i32, i32) {
    %c0_i32 = arith.constant 0 : i32
    %c0_i32_0 = arith.constant 0 : i32
    return %arg0, %c0_i32 : i32, i32
  }
  func.func @transform_5(%arg0: i32) -> (i32, i32) {
    %c0_i32 = arith.constant 0 : i32
    %c0_i32_0 = arith.constant 0 : i32
    return %arg0, %c0_i32 : i32, i32
  }
}

</mosaic_0001>

<sc_bundles>
// kernel: kernel.12.cloned.1.call-start
scs
__scs_entry_jumppad:
0x0: {  	(pc) =	sbr.rel $0x88, $3  }
0x1: {  	(tag) =	ssettag $0x0;
	lr =	simm.s32 $0x1  }
0x2: {  	[smem:$0x3F92] =	sst lr;
	_ =	strace $0xD0000000  }
0x3: {  	_ = 	snop  }
0x4: {  	_ = 	snop  }
0x5: {  	_ = 	snop  }
0x6: {  	_ = 	snop  }
0x7: {  	_ = 	snop  }
__scs_overlays_trampoline_lowered:
0x8: {  	[smem:$0x3FA1] =	sst s0  }
0x9: {  	[smem:$0x3FA2] =	sst s1  }
0xa: {  	[smem:$0x3FA3] =	sst s2  }
0xb: {  	[smem:$0x3FA4] =	sst s3  }
0xc: {  	[smem:$0x3FA5] =	sst s4  }
0xd: {  	[smem:$0x3FA6] =	sst s5  }
0xe: {  	[smem:$0x3FA7] =	sst s6  }
0xf: {  	[smem:$0x3FA8] =	sst s7  }
0x10: {  	[smem:$0x3FA9] =	sst s8  }
0x11: {  	[smem:$0x3FAA] =	sst s9;
	s0 =	simm.s32 @!p0 $0x0  }
0x12: {  	s1 =	sld [smem:$0x3F90];
	s0 =	simm.s32 @p0 $0x1  }
0x13: {  	[smem:$0x3FAB] =	sst s0;
	s0 =	simm.s32 @!p1 $0x0  }
0x14: {  	s2 =	sld [smem:$0x3F8F];
	s0 =	simm.s32 @p1 $0x1  }
0x15: {  	[smem:$0x3FAC] =	sst s0;
	s0 =	simm.s32 @!p2 $0x0  }
0x16: {  	s3 =	sld [smem:$0x3FDB];
	s0 =	simm.s32 @p2 $0x1  }
0x17: {  	s4 =	simm.s32 $0x1BF5;
	[smem:$0x3FAE] =	sst s0  }
0x18: {  	s0 =	sld [smem:$0x3F91];
	_ =	swait.ge [sflag:s4], $0x0  }
0x19: {  	s7 =	sld [smem:$0x3F92]  }
0x1a: {  	s8 =	sadd.s32 $0xFFFFE003, lr  }
0x1b: {  	s9 =	sadd.s32 $0xFFFFFEF7, lr;
	s5 =	simm.s32 $0xFFFFFFFF;
	p2 =	slt.u32 s8, $0xFFFFF086  }
0x1c: {  	p1 =	slt.u32 s9, $0xF7A;
	s5 =	simm.s32 @!p2 $0x0  }
0x1d: {  	s5 =	simm.s32 @p1 $0x1;
	p0 =	seq.s32 s7, s2  }
0x1e: {  	s7 =	smul.u32 @!p0 $0xF7A, s2;
	p2 =	seq.s32 @!p0 s5, $0x0  }
0x1f: {  	s9 =	smul.u32 $0xF7A, s1;
	s8 =	simm.s32 @!p0 $0x1BF5;
	p2 =	por !p2, p0  }
0x20: {  	[sflag:s8] =	ssyncset.s32 @!p0 $0xFFFFF086;
	s6 =	sadd.s32 @!p0 s3, s7;
	s7 =	simm.s32 @!p0 $0x108  }
0x21: {  	s3 =	sadd.s32 s3, s9;
	s6 =	sadd.s32 @!p0 $0x88, s6;
	s7 =	simm.s32 @p2 $0x1082  }
0x22: {  	[simem:s7], [sflag:s8] =	dma.local @!p0 [hbm:s6], $0xF7A  }
0x23: {  	s9 =	sor.u32 $0xD0000000, s2;
	s6 =	simm.s32 $0x108;
	_ =	swait.ge @!p0 [sflag:s8], $0x0  }
0x24: {  	s3 =	sadd.s32 $0x88, s3;
	s6 =	simm.s32 @!p1 $0x1082;
	[sflag:s4] =	ssyncset.s32 $0xFFFFF086  }
0x25: {  	[simem:s6], [sflag:s4] =	dma.local [hbm:s3], $0xF7A  }
0x26: {  	[smem:$0x3F92] =	sst s1;
	(tag) =	ssettag s2;
	_ =	strace s9  }
0x27: {  	s1 =	sld [smem:$0x3FA2]  }
0x28: {  	s2 =	sld [smem:$0x3FA3]  }
0x29: {  	s4 =	sld [smem:$0x3FA5]  }
0x2a: {  	p0 =	seq.s32 s5, $0x0;
	s5 =	sld [smem:$0x3FA6]  }
0x2b: {  	s6 =	sld [smem:$0x3FA7]  }
0x2c: {  	s7 =	sld [smem:$0x3FA8]  }
0x2d: {  	s3 =	simm.s32 $0x108;
	s8 =	sld [smem:$0x3FA9]  }
0x2e: {  	s3 =	simm.s32 @!p0 $0x1082;
	s9 =	sld [smem:$0x3FAA]  }
0x2f: {  	lr =	sadd.s32 s0, s3;
	s0 =	sld [smem:$0x3FA1]  }
0x30: {  	s3 =	sld [smem:$0x3FA4]  }
0x31: {  	[smem:$0x3FAD] =	sst s10  }
0x32: {  	s10 =	sld [smem:$0x3FAB];
	_ =	sdelay $0x3  }
0x33: {  	p0 =	seq.s32 s10, $0x1;
	s10 =	sld [smem:$0x3FAD];
	_ =	sdelay $0x3  }
0x34: {  	[smem:$0x3FAD] =	sst s10  }
0x35: {  	s10 =	sld [smem:$0x3FAC];
	_ =	sdelay $0x3  }
0x36: {  	p1 =	seq.s32 s10, $0x1;
	s10 =	sld [smem:$0x3FAD];
	_ =	sdelay $0x3  }
0x37: {  	[smem:$0x3FAD] =	sst s10  }
0x38: {  	s10 =	sld [smem:$0x3FAE]  }
0x39: {  	_ = 	snop;
	(pc) =	sbr.ind lr, $3  }
0x3a: {  	_ = 	snop  }
0x3b: {  	_ = 	snop  }
0x3c: {  	p2 =	seq.s32 s10, $0x1;
	s10 =	sld [smem:$0x3FAD]  }
0x3d: {  	_ =	shalt  }
0x3e: {  	_ =	shalt  }
0x3f: {  	_ =	shalt  }
0x40: {  	_ =	shalt  }
0x41: {  	_ =	shalt  }
0x42: {  	_ =	shalt  }
0x43: {  	_ =	shalt  }
0x44: {  	_ =	shalt  }
0x45: {  	_ =	shalt  }
0x46: {  	_ =	shalt  }
0x47: {  	_ =	shalt  }
0x48: {  	_ =	shalt  }
0x49: {  	_ =	shalt  }
0x4a: {  	_ =	shalt  }
0x4b: {  	_ =	shalt  }
0x4c: {  	_ =	shalt  }
0x4d: {  	_ =	shalt  }
0x4e: {  	_ =	shalt  }
0x4f: {  	_ =	shalt  }
0x50: {  	_ =	shalt  }
0x51: {  	_ =	shalt  }
0x52: {  	_ =	shalt  }
0x53: {  	_ =	shalt  }
0x54: {  	_ =	shalt  }
0x55: {  	_ =	shalt  }
0x56: {  	_ =	shalt  }
0x57: {  	_ =	shalt  }
0x58: {  	_ =	shalt  }
0x59: {  	_ =	shalt  }
0x5a: {  	_ =	shalt  }
0x5b: {  	_ =	shalt  }
0x5c: {  	_ =	shalt  }
0x5d: {  	_ =	shalt  }
0x5e: {  	_ =	shalt  }
0x5f: {  	_ =	shalt  }
0x60: {  	_ =	shalt  }
0x61: {  	_ =	shalt  }
0x62: {  	_ =	shalt  }
0x63: {  	_ =	shalt  }
0x64: {  	_ =	shalt  }
0x65: {  	_ =	shalt  }
0x66: {  	_ =	shalt  }
0x67: {  	_ =	shalt  }
0x68: {  	_ =	shalt  }
0x69: {  	_ =	shalt  }
0x6a: {  	_ =	shalt  }
0x6b: {  	_ =	shalt  }
0x6c: {  	_ =	shalt  }
0x6d: {  	_ =	shalt  }
0x6e: {  	_ =	shalt  }
0x6f: {  	_ =	shalt  }
0x70: {  	_ =	shalt  }
0x71: {  	_ =	shalt  }
0x72: {  	_ =	shalt  }
0x73: {  	_ =	shalt  }
0x74: {  	_ =	shalt  }
0x75: {  	_ =	shalt  }
0x76: {  	_ =	shalt  }
0x77: {  	_ =	shalt  }
0x78: {  	_ =	shalt  }
0x79: {  	_ =	shalt  }
0x7a: {  	_ =	shalt  }
0x7b: {  	_ =	shalt  }
0x7c: {  	_ =	shalt  }
0x7d: {  	_ =	shalt  }
0x7e: {  	_ =	shalt  }
0x7f: {  	_ =	shalt  }
0x80: {  	_ =	shalt  }
0x81: {  	_ =	shalt  }
0x82: {  	_ =	shalt  }
0x83: {  	_ =	shalt  }
0x84: {  	_ =	shalt  }
0x85: {  	_ =	shalt  }
0x86: {  	_ =	shalt  }
0x87: {  	_ =	shalt  }
.Lfunc_end0:
.L_simem_size_0:
called_computation.1_lowered:
.L_overlay_start_0:
0x88: {  	s2 =	sld [smem:$0x3FD9]  }
0x89: {  	s3 =	sld [smem:$0x3FFE];
	_ =	sdelay $0x1  }
0x8a: {  	s1 =	srdreg.scid  }
0x8b: {  	s0 =	sand.u32 $0x1, s1  }
0x8c: {  	s14 =	sshll.u32 s0, $0xA;
	s2 =	sadd.s32 s3, s2  }
0x8d: {  	s2 =	sadd.s32 s2, s14  }
0x8e: {  	[smem:$0x3FB9] =	sst s2  }
0x8f: {  	_ = 	snop  }
0x90: {  	s2 =	sld [smem:$0x3FD0];
	_ =	sdelay $0x2  }
0x91: {  	s15 =	simm.s32 $0xA;
	s4 =	simm.s32 $0x10  }
0x92: {  	[smem:s4], [sflag:s15] =	dma.local [hbm:s2], $0x1  }
0x93: {  	_ =	swait.eq [sflag:s15], $0x1  }
0x94: {  	[sflag:s15] =	ssyncset.done $0x0  }
0x95: {  	[sflag:s15] =	ssyncadd.s32 $0xFFFFFFFF  }
0x96: {  	s16 =	sld [smem:$0x10];
	(tm) =	ssettm $0x1  }
0x97: {  	s17 =	sld [smem:$0x3FFB];
	_ =	sdelay $0x3  }
0x98: {  	_ =	strace s17  }
0x99: {  	s3 =	sld [smem:$0x3FFC];
	_ =	sdelay $0x3  }
0x9a: {  	_ =	strace s3  }
0x9b: {  	s3 =	sld [smem:$0x3FFD];
	_ =	sdelay $0x3  }
0x9c: {  	_ =	strace s3  }
0x9d: {  	_ =	strace $0x8FFFFFFF  }
0x9e: {  	s18 =	sld [smem:$0x3FDB];
	_ =	sdelay $0x1  }
0x9f: {  	s19 =	simm.s32 $_scs_section_size  }
0xa0: {  	s5 =	simm.s32 $_size__tile_overlayer_lowered;
	s6 =	simm.s32 $_tile_overlayer_lowered  }
0xa1: {  	s22 =	simm.s32 $0x1BFF;
	s21 =	sshll.u32 s6, $0x1;
	s3 =	sadd.s32 s19, s18  }
0xa2: {  	s7 =	simm.s32 $0x0;
	s20 =	sshll.u32 s5, $0x1;
	s5 =	sadd.s32 s21, s3  }
0xa3: {  	[timem:s7], [sflag:s22] =	dma.local [hbm:s5], s20  }
0xa4: {  	_ =	swait.ge [sflag:s22], s20  }
0xa5: {  	s4 =	ssub.s32 $0x0, s20;
	[sflag:s22] =	ssyncset.done $0x0  }
0xa6: {  	[sflag:s22] =	ssyncadd.s32 s4;
	_ =	sdelay $0x1  }
0xa7: {  	s23 =	simm.s32 $0x1B8B  }
0xa8: {  	_ =	swait.ge [sflag:s23], $0x1  }
0xa9: {  	[sflag:s23] =	ssyncset.done $0x0  }
0xaa: {  	s25 =	simm.s32 $0x1B8E;
	s24 =	sld [smem:$0x3FFE];
	[sflag:s23] =	ssyncadd.s32 $0xFFFFFFFF  }
0xab: {  	s26 =	simm.s32 $execute0_lowered;
	[smem:$0x3FD2] =	sst s25  }
0xac: {  	s5 =	sshll.u32 s26, $0x1;
	_ =	strace $0x80000049;
	[dreg:$0x1] =	wrdreg $0xFFFFFFFF  }
0xad: {  	s28 =	simm.s32 $_size_execute0_lowered;
	s3 =	sadd.s32 s3, s5;
	[dreg:$0x0] =	wrdreg $0x0  }
0xae: {  	s5 =	sshll.u32 s28, $0x1;
	[dreg:$0x2] =	wrdreg s3  }
0xaf: {  	[dreg:$0x3] =	wrdreg s5  }
0xb0: {  	[dreg:$0x4] =	wrdreg $0xC0  }
0xb1: {  	_ =	task [dreg:s7], $0x5FFFF  }
0xb2: {  	[dreg:$0x1] =	wrdreg $0xFFFFFFFF  }
0xb3: {  	[dreg:$0x0] =	wrdreg $0x60  }
0xb4: {  	[dreg:$0x2] =	wrdreg s24  }
0xb5: {  	[dreg:$0x3] =	wrdreg s16  }
0xb6: {  	[dreg:$0x4] =	wrdreg $0x9  }
0xb7: {  	_ =	task.clear_ibuf [dreg:s7], $0x5FFFF;
	_ =	strace $0x90000049  }
0xb8: {  	s29 =	simm.s32 $0x9;
	_ =	strace $0x8000004B  }
0xb9: {  	_ =	swait.ge [sflag:s29], $0x1  }
0xba: {  	[sflag:s29] =	ssyncadd.s32 $0xFFFFFFFF  }
0xbb: {  	_ =	strace $0x9000004B  }
0xbc: {  	_ =	sfence  }
0xbd: {  	s30 =	sld [smem:$0x0];
	_ =	sdelay $0x2  }
0xbe: {  	s31 =	sshll.u32 s1, $0xD;
	s1 =	sshrl.u32 s1, $0x2  }
0xbf: {  	s3 =	sand.u32 $0x4000, s31;
	s1 =	sadd.s32 s1, s30  }
0xc0: {  	s0 =	sor.u32 s3, s0;
	s1 =	sshll.u32 s1, $0x11  }
0xc1: {  	s0 =	sor.u32 s1, s0  }
0xc2: {  	s0 =	sadd.s32 $0x8F2B, s0  }
0xc3: {  	[sflag:s0] =	ssyncadd.remote.s32 $0x1  }
0xc4: {  	_ =	sfence.sel $0xFFFF  }
0xc5: {  	[dreg:$0x0] =	wrdreg $0xFFFFFFFF;
	(pc) =	sbr.abs _section_cstart, $3  }
0xc6: {  	[dreg:$0x1] =	wrdreg $0xFFFFFFFF  }
0xc7: {  	_ =	task.clear_ibuf [dreg:s7], $0x2FFFF;
	_ =	strace $0x9FFFFFFF  }
0xc8: {  	(tm) =	ssettm $0x7FFFFFFF  }
0xc9: {  	_ =	shalt  }
tec
execute0_lowered:
.L_overlay_start_1:
0x0: {  	(tag) =	ssettag $0x1  }
0x1: {  	s0 =	rddreg [dreg:$0x0]  }
0x2: {  	s1 =	rddreg [dreg:$0x1];
	s3 =	srdreg.scid  }
0x3: {  	s2 =	simm.s32 $0x0;
	s5 =	stileid.u32;
	s18 =	simm.s32 $0x1  }
0x4: {  	s20 =	simm.s32 $0x880;
	s21 =	simm.s32 $0x1080;
	s28 =	simm.s32 $0x4080  }
0x5: {  	s29 =	simm.s32 $0x4880;
	s30 =	simm.s32 $0x5080;
	s31 =	simm.s32 $0x5880  }
0x6: {  	s10 =	simm.s32 $0x7080;
	s11 =	simm.s32 $0x7880;
	s12 =	simm.s32 $0x8080  }
0x7: {  	s13 =	simm.s32 $0x8880;
	s14 =	simm.s32 $0x9080;
	s15 =	simm.s32 $0x9880  }
0x8: {  	s16 =	simm.s32 $0xA080;
	s17 =	simm.s32 $0xA880;
	s9 =	simm.s32 $0xB080  }
0x9: {  	s4 =	sand.u32 $0x1, s3;
	[smem:$0x7FF] =	sst s2;
	s22 =	sshll.u32 s5, $0x7  }
0xa: {  	s3 =	sadd.s32 $0x2C2600, s0;
	s23 =	sshll.u32 s4, $0x6;
	s4 =	ssub.s32 $0x2, s4  }
0xb: {  	_ =	strace $0x8000004A;
	s5 =	sor.u32 s23, s22;
	s7 =	sshrl.u32 s4, $0x1  }
0xc: {  	s22 =	simm.s32 $0x1880;
	s23 =	simm.s32 $0x2080;
	s6 =	sshrl.u32 s5, $0x3  }
0xd: {  	s5 =	sshll.u32 s5, $0x7;
	s7 =	ssub.s32 s4, s7;
	s4 =	sadd.s32 $0x2C2700, s0  }
0xe: {  	s6 =	sadd.s32 s6, s0;
	s8 =	sadd.s32 s5, s0;
	s1 =	sadd.s32 s1, s5  }
0xf: {  	s5 =	sadd.s32 $0x2C2800, s0;
	s24 =	sadd.s32 $0x2200, s6;
	[dreg:$0x4] =	wrdreg s1  }
0x10: {  	s7 =	smax.u32 s7, $0x1;
	s25 =	sadd.s32 $0x2400, s6;
	[dreg:$0x3] =	wrdreg s24  }
0x11: {  	v2 =	vlaneseq.u32;
	s6 =	sadd.s32 $0x2C2900, s0;
	s26 =	sadd.s32 $0x2600, s8;
	[dreg:$0x5] =	wrdreg s25  }
0x12: {  	vm0 =	vmmov $0xffff;
	v1 =	vshrl.u32 v2, $0x3;
	s8 =	simm.s32 $0x2;
	s0 =	simm.s32 $0x80;
	[dreg:$0x6] =	wrdreg s26  }
0x13: {  	v0 =	vand.u32 $0x7, v2;
	v2 =	vor.u32 $0x8, v2;
	v1 =	vmul.u32 $0x8, v1;
	s24 =	simm.s32 $0x2880;
	s25 =	simm.s32 $0x3080;
	s26 =	simm.s32 $0x3880  }
.LBB2_1:
0x14: {  	s19 =	rddreg [dreg:$0x3]  }
0x15: {  	[tilespmem:s2], [sflag:$0x2] =	stream.linear.gather [hbm4b:s19+s2], $0x40, $0x38;
	[tilespmem:$0x10080] =	vst v63  }
0x16: {  	_ =	swait.ge [sflag:s8], $0x40  }
0x17: {  	[sflag:s8] =	ssyncset.done $0x0  }
0x18: {  	[sflag:s8] =	ssyncadd.s32 $0xFFFFFFC0  }
0x19: {  	v3 =	vld [tilespmem:$0x0];
	_ =	sdelay $0x4  }
0x1a: {  	v4 =	vshll.u32 v3, $0x3  }
0x1b: {  	v3 =	vand.u32 $0x7, v3;
	v4 =	vand.u32 $0xFFFFFFC0, v4  }
0x1c: {  	v3 =	vor.u32 v3, v4  }
0x1d: {  	v4 =	vperm.xlane v3, v0;
	_ =	sdelay $0x1  }
0x1e: {  	v4 =	vadd.s32 v1, v4;
	_ =	sdelay $0x4  }
0x1f: {  	[tilespmem:s0], [sflag:$0x1] =	stream.indirect_vreg.gather [hbm4b:s3+s2], $0x80, v4, vm0, $0xb8;
	[tilespmem:$0x10080] =	vst v63  }
0x20: {  	v3 =	vperm.xlane v3, v2  }
0x21: {  	[tilespmem:s20], [sflag:$0x1] =	stream.indirect_vreg.gather [hbm4b:s4+s2], $0x80, v4, vm0, $0xb8;
	[tilespmem:$0x10080] =	vst v63  }
0x22: {  	v3 =	vadd.s32 v1, v3  }
0x23: {  	[tilespmem:s21], [sflag:$0x1] =	stream.indirect_vreg.gather [hbm4b:s5+s2], $0x80, v4, vm0, $0xb8;
	[tilespmem:$0x10080] =	vst v63  }
0x24: {  	_ = 	snop  }
0x25: {  	[tilespmem:s22], [sflag:$0x1] =	stream.indirect_vreg.gather [hbm4b:s6+s2], $0x80, v4, vm0, $0xb8;
	[tilespmem:$0x10080] =	vst v63  }
0x26: {  	_ = 	snop  }
0x27: {  	[tilespmem:s23], [sflag:$0x1] =	stream.indirect_vreg.gather [hbm4b:s3+s2], $0x80, v3, vm0, $0xb8;
	[tilespmem:$0x10080] =	vst v63  }
0x28: {  	_ = 	snop  }
0x29: {  	[tilespmem:s24], [sflag:$0x1] =	stream.indirect_vreg.gather [hbm4b:s4+s2], $0x80, v3, vm0, $0xb8;
	[tilespmem:$0x10080] =	vst v63  }
0x2a: {  	_ = 	snop  }
0x2b: {  	[tilespmem:s25], [sflag:$0x1] =	stream.indirect_vreg.gather [hbm4b:s5+s2], $0x80, v3, vm0, $0xb8;
	[tilespmem:$0x10080] =	vst v63  }
0x2c: {  	_ = 	snop  }
0x2d: {  	[tilespmem:s26], [sflag:$0x1] =	stream.indirect_vreg.gather [hbm4b:s6+s2], $0x80, v3, vm0, $0xb8;
	[tilespmem:$0x10080] =	vst v63  }
0x2e: {  	v3 =	vld [tilespmem:$0x10];
	_ =	sdelay $0x4  }
0x2f: {  	v57 =	vshll.u32 v3, $0x3  }
0x30: {  	v3 =	vand.u32 $0x7, v3;
	v4 =	vand.u32 $0xFFFFFFC0, v57  }
0x31: {  	v3 =	vor.u32 v3, v4  }
0x32: {  	v4 =	vperm.xlane v3, v0;
	_ =	sdelay $0x1  }
0x33: {  	v4 =	vadd.s32 v1, v4;
	_ =	sdelay $0x4  }
0x34: {  	[tilespmem:s28], [sflag:$0x1] =	stream.indirect_vreg.gather [hbm4b:s3+s2], $0x80, v4, vm0, $0xb8;
	[tilespmem:$0x10080] =	vst v63  }
0x35: {  	v3 =	vperm.xlane v3, v2  }
0x36: {  	[tilespmem:s29], [sflag:$0x1] =	stream.indirect_vreg.gather [hbm4b:s4+s2], $0x80, v4, vm0, $0xb8;
	[tilespmem:$0x10080] =	vst v63  }
0x37: {  	v3 =	vadd.s32 v1, v3  }
0x38: {  	[tilespmem:s30], [sflag:$0x1] =	stream.indirect_vreg.gather [hbm4b:s5+s2], $0x80, v4, vm0, $0xb8;
	[tilespmem:$0x10080] =	vst v63  }
0x39: {  	_ = 	snop  }
0x3a: {  	[tilespmem:s31], [sflag:$0x1] =	stream.indirect_vreg.gather [hbm4b:s6+s2], $0x80, v4, vm0, $0xb8;
	[tilespmem:$0x10080] =	vst v63  }
0x3b: {  	s1 =	simm.s32 $0x6080  }
0x3c: {  	[tilespmem:s1], [sflag:$0x1] =	stream.indirect_vreg.gather [hbm4b:s3+s2], $0x80, v3, vm0, $0xb8;
	[tilespmem:$0x10080] =	vst v63  }
0x3d: {  	s1 =	simm.s32 $0x6880  }
0x3e: {  	[tilespmem:s1], [sflag:$0x1] =	stream.indirect_vreg.gather [hbm4b:s4+s2], $0x80, v3, vm0, $0xb8;
	[tilespmem:$0x10080] =	vst v63  }
0x3f: {  	_ = 	snop  }
0x40: {  	[tilespmem:s10], [sflag:$0x1] =	stream.indirect_vreg.gather [hbm4b:s5+s2], $0x80, v3, vm0, $0xb8;
	[tilespmem:$0x10080] =	vst v63  }
0x41: {  	_ = 	snop  }
0x42: {  	[tilespmem:s11], [sflag:$0x1] =	stream.indirect_vreg.gather [hbm4b:s6+s2], $0x80, v3, vm0, $0xb8;
	[tilespmem:$0x10080] =	vst v63  }
0x43: {  	v3 =	vld [tilespmem:$0x20];
	_ =	sdelay $0x4  }
0x44: {  	v58 =	vshll.u32 v3, $0x3  }
0x45: {  	v3 =	vand.u32 $0x7, v3;
	v4 =	vand.u32 $0xFFFFFFC0, v58  }
0x46: {  	v3 =	vor.u32 v3, v4  }
0x47: {  	v4 =	vperm.xlane v3, v0;
	_ =	sdelay $0x1  }
0x48: {  	v4 =	vadd.s32 v1, v4;
	_ =	sdelay $0x4  }
0x49: {  	[tilespmem:s12], [sflag:$0x1] =	stream.indirect_vreg.gather [hbm4b:s3+s2], $0x80, v4, vm0, $0xb8;
	[tilespmem:$0x10080] =	vst v63  }
0x4a: {  	v3 =	vperm.xlane v3, v2  }
0x4b: {  	[tilespmem:s13], [sflag:$0x1] =	stream.indirect_vreg.gather [hbm4b:s4+s2], $0x80, v4, vm0, $0xb8;
	[tilespmem:$0x10080] =	vst v63  }
0x4c: {  	v3 =	vadd.s32 v1, v3  }
0x4d: {  	[tilespmem:s14], [sflag:$0x1] =	stream.indirect_vreg.gather [hbm4b:s5+s2], $0x80, v4, vm0, $0xb8;
	[tilespmem:$0x10080] =	vst v63  }
0x4e: {  	_ = 	snop  }
0x4f: {  	[tilespmem:s15], [sflag:$0x1] =	stream.indirect_vreg.gather [hbm4b:s6+s2], $0x80, v4, vm0, $0xb8;
	[tilespmem:$0x10080] =	vst v63  }
0x50: {  	_ = 	snop  }
0x51: {  	[tilespmem:s16], [sflag:$0x1] =	stream.indirect_vreg.gather [hbm4b:s3+s2], $0x80, v3, vm0, $0xb8;
	[tilespmem:$0x10080] =	vst v63  }
0x52: {  	_ = 	snop  }
0x53: {  	[tilespmem:s17], [sflag:$0x1] =	stream.indirect_vreg.gather [hbm4b:s4+s2], $0x80, v3, vm0, $0xb8;
	[tilespmem:$0x10080] =	vst v63  }
0x54: {  	_ = 	snop  }
0x55: {  	[tilespmem:s9], [sflag:$0x1] =	stream.indirect_vreg.gather [hbm4b:s5+s2], $0x80, v3, vm0, $0xb8;
	[tilespmem:$0x10080] =	vst v63  }
0x56: {  	s19 =	simm.s32 $0xB880  }
0x57: {  	[tilespmem:s19], [sflag:$0x1] =	stream.indirect_vreg.gather [hbm4b:s6+s2], $0x80, v3, vm0, $0xb8;
	[tilespmem:$0x10080] =	vst v63  }
0x58: {  	v3 =	vld [tilespmem:$0x30];
	_ =	sdelay $0x4  }
0x59: {  	v59 =	vshll.u32 v3, $0x3  }
0x5a: {  	v3 =	vand.u32 $0x7, v3;
	v4 =	vand.u32 $0xFFFFFFC0, v59  }
0x5b: {  	v3 =	vor.u32 v3, v4  }
0x5c: {  	v4 =	vperm.xlane v3, v0;
	_ =	sdelay $0x1  }
0x5d: {  	v4 =	vadd.s32 v1, v4;
	_ =	sdelay $0x3  }
0x5e: {  	s19 =	simm.s32 $0xC080  }
0x5f: {  	[tilespmem:s19], [sflag:$0x1] =	stream.indirect_vreg.gather [hbm4b:s3+s2], $0x80, v4, vm0, $0xb8;
	[tilespmem:$0x10080] =	vst v63  }
0x60: {  	v3 =	vperm.xlane v3, v2;
	s19 =	simm.s32 $0xC880  }
0x61: {  	[tilespmem:s19], [sflag:$0x1] =	stream.indirect_vreg.gather [hbm4b:s4+s2], $0x80, v4, vm0, $0xb8;
	[tilespmem:$0x10080] =	vst v63  }
0x62: {  	v3 =	vadd.s32 v1, v3;
	s19 =	simm.s32 $0xD080  }
0x63: {  	[tilespmem:s19], [sflag:$0x1] =	stream.indirect_vreg.gather [hbm4b:s5+s2], $0x80, v4, vm0, $0xb8;
	[tilespmem:$0x10080] =	vst v63  }
0x64: {  	s19 =	simm.s32 $0xD880  }
0x65: {  	[tilespmem:s19], [sflag:$0x1] =	stream.indirect_vreg.gather [hbm4b:s6+s2], $0x80, v4, vm0, $0xb8;
	[tilespmem:$0x10080] =	vst v63  }
0x66: {  	s19 =	simm.s32 $0xE080  }
0x67: {  	[tilespmem:s19], [sflag:$0x1] =	stream.indirect_vreg.gather [hbm4b:s3+s2], $0x80, v3, vm0, $0xb8;
	[tilespmem:$0x10080] =	vst v63  }
0x68: {  	s19 =	simm.s32 $0xE880  }
0x69: {  	[tilespmem:s19], [sflag:$0x1] =	stream.indirect_vreg.gather [hbm4b:s4+s2], $0x80, v3, vm0, $0xb8;
	[tilespmem:$0x10080] =	vst v63  }
0x6a: {  	s19 =	simm.s32 $0xF080  }
0x6b: {  	[tilespmem:s19], [sflag:$0x1] =	stream.indirect_vreg.gather [hbm4b:s5+s2], $0x80, v3, vm0, $0xb8;
	[tilespmem:$0x10080] =	vst v63  }
0x6c: {  	s19 =	simm.s32 $0xF880  }
0x6d: {  	[tilespmem:s19], [sflag:$0x1] =	stream.indirect_vreg.gather [hbm4b:s6+s2], $0x80, v3, vm0, $0xb8;
	[tilespmem:$0x10080] =	vst v63  }
0x6e: {  	_ =	swait.ge [sflag:s18], $0x10000  }
0x6f: {  	[sflag:s18] =	ssyncset.done $0x0  }
0x70: {  	s19 =	rddreg [dreg:$0x4];
	[sflag:s18] =	ssyncadd.s32 $0xFFFF0000  }
0x71: {  	[hbm4b:s19+s2] =	stream.linear.scatter [tilespmem:s0], [sflag:$0x2], $0x10000, $0x38;
	[tilespmem:$0x10080] =	vst v63  }
0x72: {  	_ =	swait.ge [sflag:s8], $0x10000  }
0x73: {  	[sflag:s8] =	ssyncset.done $0x0  }
0x74: {  	s19 =	rddreg [dreg:$0x5];
	[sflag:s8] =	ssyncadd.s32 $0xFFFF0000  }
0x75: {  	[tilespmem:s2], [sflag:$0x2] =	stream.linear.gather [hbm4b:s19+s2], $0x40, $0x38;
	[tilespmem:$0x10080] =	vst v63  }
0x76: {  	_ =	swait.ge [sflag:s8], $0x40  }
0x77: {  	[sflag:s8] =	ssyncset.done $0x0  }
0x78: {  	[sflag:s8] =	ssyncadd.s32 $0xFFFFFFC0  }
0x79: {  	v3 =	vld [tilespmem:$0x0];
	_ =	sdelay $0x4  }
0x7a: {  	v60 =	vshll.u32 v3, $0x3  }
0x7b: {  	v3 =	vand.u32 $0x7, v3;
	v4 =	vand.u32 $0xFFFFFFC0, v60  }
0x7c: {  	v3 =	vor.u32 v3, v4  }
0x7d: {  	v4 =	vperm.xlane v3, v0;
	_ =	sdelay $0x1  }
0x7e: {  	v4 =	vadd.s32 v1, v4;
	_ =	sdelay $0x4  }
0x7f: {  	[tilespmem:s0], [sflag:$0x1] =	stream.indirect_vreg.gather [hbm4b:s3+s2], $0x80, v4, vm0, $0xb8;
	[tilespmem:$0x10080] =	vst v63  }
0x80: {  	v3 =	vperm.xlane v3, v2  }
0x81: {  	[tilespmem:s20], [sflag:$0x1] =	stream.indirect_vreg.gather [hbm4b:s4+s2], $0x80, v4, vm0, $0xb8;
	[tilespmem:$0x10080] =	vst v63  }
0x82: {  	v3 =	vadd.s32 v1, v3  }
0x83: {  	[tilespmem:s21], [sflag:$0x1] =	stream.indirect_vreg.gather [hbm4b:s5+s2], $0x80, v4, vm0, $0xb8;
	[tilespmem:$0x10080] =	vst v63  }
0x84: {  	_ = 	snop  }
0x85: {  	[tilespmem:s22], [sflag:$0x1] =	stream.indirect_vreg.gather [hbm4b:s6+s2], $0x80, v4, vm0, $0xb8;
	[tilespmem:$0x10080] =	vst v63  }
0x86: {  	_ = 	snop  }
0x87: {  	[tilespmem:s23], [sflag:$0x1] =	stream.indirect_vreg.gather [hbm4b:s3+s2], $0x80, v3, vm0, $0xb8;
	[tilespmem:$0x10080] =	vst v63  }
0x88: {  	_ = 	snop  }
0x89: {  	[tilespmem:s24], [sflag:$0x1] =	stream.indirect_vreg.gather [hbm4b:s4+s2], $0x80, v3, vm0, $0xb8;
	[tilespmem:$0x10080] =	vst v63  }
0x8a: {  	_ = 	snop  }
0x8b: {  	[tilespmem:s25], [sflag:$0x1] =	stream.indirect_vreg.gather [hbm4b:s5+s2], $0x80, v3, vm0, $0xb8;
	[tilespmem:$0x10080] =	vst v63  }
0x8c: {  	_ = 	snop  }
0x8d: {  	[tilespmem:s26], [sflag:$0x1] =	stream.indirect_vreg.gather [hbm4b:s6+s2], $0x80, v3, vm0, $0xb8;
	[tilespmem:$0x10080] =	vst v63  }
0x8e: {  	v3 =	vld [tilespmem:$0x10];
	_ =	sdelay $0x4  }
0x8f: {  	v61 =	vshll.u32 v3, $0x3  }
0x90: {  	v3 =	vand.u32 $0x7, v3;
	v4 =	vand.u32 $0xFFFFFFC0, v61  }
0x91: {  	v3 =	vor.u32 v3, v4  }
0x92: {  	v4 =	vperm.xlane v3, v0;
	_ =	sdelay $0x1  }
0x93: {  	v4 =	vadd.s32 v1, v4;
	_ =	sdelay $0x4  }
0x94: {  	[tilespmem:s28], [sflag:$0x1] =	stream.indirect_vreg.gather [hbm4b:s3+s2], $0x80, v4, vm0, $0xb8;
	[tilespmem:$0x10080] =	vst v63  }
0x95: {  	v3 =	vperm.xlane v3, v2  }
0x96: {  	[tilespmem:s29], [sflag:$0x1] =	stream.indirect_vreg.gather [hbm4b:s4+s2], $0x80, v4, vm0, $0xb8;
	[tilespmem:$0x10080] =	vst v63  }
0x97: {  	v3 =	vadd.s32 v1, v3  }
0x98: {  	[tilespmem:s30], [sflag:$0x1] =	stream.indirect_vreg.gather [hbm4b:s5+s2], $0x80, v4, vm0, $0xb8;
	[tilespmem:$0x10080] =	vst v63  }
0x99: {  	_ = 	snop  }
0x9a: {  	[tilespmem:s31], [sflag:$0x1] =	stream.indirect_vreg.gather [hbm4b:s6+s2], $0x80, v4, vm0, $0xb8;
	[tilespmem:$0x10080] =	vst v63  }
0x9b: {  	s19 =	simm.s32 $0x6080  }
0x9c: {  	[tilespmem:s19], [sflag:$0x1] =	stream.indirect_vreg.gather [hbm4b:s3+s2], $0x80, v3, vm0, $0xb8;
	[tilespmem:$0x10080] =	vst v63  }
0x9d: {  	_ = 	snop  }
0x9e: {  	[tilespmem:s1], [sflag:$0x1] =	stream.indirect_vreg.gather [hbm4b:s4+s2], $0x80, v3, vm0, $0xb8;
	[tilespmem:$0x10080] =	vst v63  }
0x9f: {  	_ = 	snop  }
0xa0: {  	[tilespmem:s10], [sflag:$0x1] =	stream.indirect_vreg.gather [hbm4b:s5+s2], $0x80, v3, vm0, $0xb8;
	[tilespmem:$0x10080] =	vst v63  }
0xa1: {  	_ = 	snop  }
0xa2: {  	[tilespmem:s11], [sflag:$0x1] =	stream.indirect_vreg.gather [hbm4b:s6+s2], $0x80, v3, vm0, $0xb8;
	[tilespmem:$0x10080] =	vst v63  }
0xa3: {  	v3 =	vld [tilespmem:$0x20];
	_ =	sdelay $0x4  }
0xa4: {  	v62 =	vshll.u32 v3, $0x3  }
0xa5: {  	v3 =	vand.u32 $0x7, v3;
	v4 =	vand.u32 $0xFFFFFFC0, v62  }
0xa6: {  	v3 =	vor.u32 v3, v4  }
0xa7: {  	v4 =	vperm.xlane v3, v0;
	_ =	sdelay $0x1  }
0xa8: {  	v4 =	vadd.s32 v1, v4;
	_ =	sdelay $0x4  }
0xa9: {  	[tilespmem:s12], [sflag:$0x1] =	stream.indirect_vreg.gather [hbm4b:s3+s2], $0x80, v4, vm0, $0xb8;
	[tilespmem:$0x10080] =	vst v63  }
0xaa: {  	v3 =	vperm.xlane v3, v2  }
0xab: {  	[tilespmem:s13], [sflag:$0x1] =	stream.indirect_vreg.gather [hbm4b:s4+s2], $0x80, v4, vm0, $0xb8;
	[tilespmem:$0x10080] =	vst v63  }
0xac: {  	v3 =	vadd.s32 v1, v3  }
0xad: {  	[tilespmem:s14], [sflag:$0x1] =	stream.indirect_vreg.gather [hbm4b:s5+s2], $0x80, v4, vm0, $0xb8;
	[tilespmem:$0x10080] =	vst v63  }
0xae: {  	_ = 	snop  }
0xaf: {  	[tilespmem:s15], [sflag:$0x1] =	stream.indirect_vreg.gather [hbm4b:s6+s2], $0x80, v4, vm0, $0xb8;
	[tilespmem:$0x10080] =	vst v63  }
0xb0: {  	_ = 	snop  }
0xb1: {  	[tilespmem:s16], [sflag:$0x1] =	stream.indirect_vreg.gather [hbm4b:s3+s2], $0x80, v3, vm0, $0xb8;
	[tilespmem:$0x10080] =	vst v63  }
0xb2: {  	_ = 	snop  }
0xb3: {  	[tilespmem:s17], [sflag:$0x1] =	stream.indirect_vreg.gather [hbm4b:s4+s2], $0x80, v3, vm0, $0xb8;
	[tilespmem:$0x10080] =	vst v63  }
0xb4: {  	_ = 	snop  }
0xb5: {  	[tilespmem:s9], [sflag:$0x1] =	stream.indirect_vreg.gather [hbm4b:s5+s2], $0x80, v3, vm0, $0xb8;
	[tilespmem:$0x10080] =	vst v63  }
0xb6: {  	s19 =	simm.s32 $0xB880  }
0xb7: {  	[tilespmem:s19], [sflag:$0x1] =	stream.indirect_vreg.gather [hbm4b:s6+s2], $0x80, v3, vm0, $0xb8;
	[tilespmem:$0x10080] =	vst v63  }
0xb8: {  	v3 =	vld [tilespmem:$0x30];
	_ =	sdelay $0x4  }
0xb9: {  	v63 =	vshll.u32 v3, $0x3  }
0xba: {  	v3 =	vand.u32 $0x7, v3;
	v4 =	vand.u32 $0xFFFFFFC0, v63  }
0xbb: {  	v3 =	vor.u32 v3, v4  }
0xbc: {  	v4 =	vperm.xlane v3, v0;
	_ =	sdelay $0x1  }
0xbd: {  	v4 =	vadd.s32 v1, v4;
	_ =	sdelay $0x3  }
0xbe: {  	s19 =	simm.s32 $0xC080  }
0xbf: {  	[tilespmem:s19], [sflag:$0x1] =	stream.indirect_vreg.gather [hbm4b:s3+s2], $0x80, v4, vm0, $0xb8;
	[tilespmem:$0x10080] =	vst v63  }
0xc0: {  	v3 =	vperm.xlane v3, v2;
	s19 =	simm.s32 $0xC880  }
0xc1: {  	[tilespmem:s19], [sflag:$0x1] =	stream.indirect_vreg.gather [hbm4b:s4+s2], $0x80, v4, vm0, $0xb8;
	[tilespmem:$0x10080] =	vst v63  }
0xc2: {  	v3 =	vadd.s32 v1, v3;
	s19 =	simm.s32 $0xD080  }
0xc3: {  	[tilespmem:s19], [sflag:$0x1] =	stream.indirect_vreg.gather [hbm4b:s5+s2], $0x80, v4, vm0, $0xb8;
	[tilespmem:$0x10080] =	vst v63  }
0xc4: {  	s19 =	simm.s32 $0xD880  }
0xc5: {  	[tilespmem:s19], [sflag:$0x1] =	stream.indirect_vreg.gather [hbm4b:s6+s2], $0x80, v4, vm0, $0xb8;
	[tilespmem:$0x10080] =	vst v63  }
0xc6: {  	s19 =	simm.s32 $0xE080  }
0xc7: {  	[tilespmem:s19], [sflag:$0x1] =	stream.indirect_vreg.gather [hbm4b:s3+s2], $0x80, v3, vm0, $0xb8;
	[tilespmem:$0x10080] =	vst v63  }
0xc8: {  	s19 =	simm.s32 $0xE880  }
0xc9: {  	[tilespmem:s19], [sflag:$0x1] =	stream.indirect_vreg.gather [hbm4b:s4+s2], $0x80, v3, vm0, $0xb8;
	[tilespmem:$0x10080] =	vst v63  }
0xca: {  	s19 =	simm.s32 $0xF080  }
0xcb: {  	[tilespmem:s19], [sflag:$0x1] =	stream.indirect_vreg.gather [hbm4b:s5+s2], $0x80, v3, vm0, $0xb8;
	[tilespmem:$0x10080] =	vst v63  }
0xcc: {  	s19 =	simm.s32 $0xF880  }
0xcd: {  	[tilespmem:s19], [sflag:$0x1] =	stream.indirect_vreg.gather [hbm4b:s6+s2], $0x80, v3, vm0, $0xb8;
	[tilespmem:$0x10080] =	vst v63  }
0xce: {  	_ =	swait.ge [sflag:s18], $0x10000  }
0xcf: {  	p0 =	sne.s32 s7, $0x1;
	[sflag:s18] =	ssyncset.done $0x0  }
.Ltmp0:
0xd0: {  	s1 =	rddreg [dreg:$0x6];
	[sflag:s18] =	ssyncadd.s32 $0xFFFF0000;
	(pc) =	sbr.rel @p0 .LBB2_1-.Ltmp0, $4  }
0xd1: {  	[hbm4b:s1+s2] =	stream.linear.scatter [tilespmem:s0], [sflag:$0x2], $0x10000, $0x38;
	[tilespmem:$0x10080] =	vst v63  }
0xd2: {  	_ =	swait.ge [sflag:s8], $0x10000  }
0xd3: {  	[sflag:s8] =	ssyncset.done $0x0  }
0xd4: {  	s7 =	sadd.s32 $0xFFFFFFFF, s7;
	[sflag:s8] =	ssyncadd.s32 $0xFFFF0000  }
0xd5: {  	_ =	sfence.sel $0x180000  }
0xd6: {  	[bflag:$0x0] =	sbarrier.arrive $0xFFFF  }
0xd7: {  	_ =	strace $0x9000004A  }
0xd8: {  	s0 =	stileid.u32;
	[bflag:$0x2] =	sbarrier.arrive $0xFFFF  }
0xd9: {  	p0 =	sne.s32 s0, $0x0;
	s0 =	rddreg [dreg:$0x2]  }
0xda: {  	s0 =	sadd.s32 @!p0 $0x100000, s0  }
0xdb: {  	[sflag:s0] =	ssyncadd.tile.s32 @!p0 $0x1;
	_ =	shalt  }
.Lfunc_end2:
_tile_overlayer_lowered:
.L_overlay_start_2:
0xdc: {  	(tag) =	ssettag $0x2  }
0xdd: {  	s0 =	rddreg [dreg:$0x0];
	s2 =	stileid.u32  }
0xde: {  	s1 =	rddreg [dreg:$0x1];
	p0 =	sne.s32 s2, $0x0  }
0xdf: {  	s3 =	rddreg [dreg:$0x2];
	[bflag:$0x3] =	sbarrier.arrive $0xFFFF;
	s2 =	simm.s32 @!p0 $0x1C02  }
0xe0: {  	[timem:s3], [sflag:s2] =	dma.local @!p0 [hbm:s0], s1  }
0xe1: {  	s0 =	simm.s32 @!p0 $0x2  }
0xe2: {  	_ =	swait.ge @!p0 [sflag:s0], s1  }
0xe3: {  	s1 =	ssub.s32 @!p0 $0x0, s1;
	[sflag:s0] =	ssyncset.done @!p0 $0x0  }
0xe4: {  	[sflag:s0] =	ssyncadd.s32 @!p0 s1  }
0xe5: {  	[bflag:$0x3] =	sbarrier.arrive $0xFFFF  }
0xe6: {  	_ =	shalt  }

// kernel: kernel.9.cloned.1.call-start
scs
__scs_entry_jumppad:
0x0: {  	(pc) =	sbr.rel $0x88, $3  }
0x1: {  	(tag) =	ssettag $0x0;
	lr =	simm.s32 $0x1  }
0x2: {  	[smem:$0x3F92] =	sst lr;
	_ =	strace $0xD0000000  }
0x3: {  	_ = 	snop  }
0x4: {  	_ = 	snop  }
0x5: {  	_ = 	snop  }
0x6: {  	_ = 	snop  }
0x7: {  	_ = 	snop  }
__scs_overlays_trampoline_lowered:
0x8: {  	[smem:$0x3FA1] =	sst s0  }
0x9: {  	[smem:$0x3FA2] =	sst s1  }
0xa: {  	[smem:$0x3FA3] =	sst s2  }
0xb: {  	[smem:$0x3FA4] =	sst s3  }
0xc: {  	[smem:$0x3FA5] =	sst s4  }
0xd: {  	[smem:$0x3FA6] =	sst s5  }
0xe: {  	[smem:$0x3FA7] =	sst s6  }
0xf: {  	[smem:$0x3FA8] =	sst s7  }
0x10: {  	[smem:$0x3FA9] =	sst s8  }
0x11: {  	[smem:$0x3FAA] =	sst s9;
	s0 =	simm.s32 @!p0 $0x0  }
0x12: {  	s1 =	sld [smem:$0x3F90];
	s0 =	simm.s32 @p0 $0x1  }
0x13: {  	[smem:$0x3FAB] =	sst s0;
	s0 =	simm.s32 @!p1 $0x0  }
0x14: {  	s2 =	sld [smem:$0x3F8F];
	s0 =	simm.s32 @p1 $0x1  }
0x15: {  	[smem:$0x3FAC] =	sst s0;
	s0 =	simm.s32 @!p2 $0x0  }
0x16: {  	s3 =	sld [smem:$0x3FDB];
	s0 =	simm.s32 @p2 $0x1  }
0x17: {  	s4 =	simm.s32 $0x1BF5;
	[smem:$0x3FAE] =	sst s0  }
0x18: {  	s0 =	sld [smem:$0x3F91];
	_ =	swait.ge [sflag:s4], $0x0  }
0x19: {  	s7 =	sld [smem:$0x3F92]  }
0x1a: {  	s8 =	sadd.s32 $0xFFFFE003, lr  }
0x1b: {  	s9 =	sadd.s32 $0xFFFFFEF7, lr;
	s5 =	simm.s32 $0xFFFFFFFF;
	p2 =	slt.u32 s8, $0xFFFFF086  }
0x1c: {  	p1 =	slt.u32 s9, $0xF7A;
	s5 =	simm.s32 @!p2 $0x0  }
0x1d: {  	s5 =	simm.s32 @p1 $0x1;
	p0 =	seq.s32 s7, s2  }
0x1e: {  	s7 =	smul.u32 @!p0 $0xF7A, s2;
	p2 =	seq.s32 @!p0 s5, $0x0  }
0x1f: {  	s9 =	smul.u32 $0xF7A, s1;
	s8 =	simm.s32 @!p0 $0x1BF5;
	p2 =	por !p2, p0  }
0x20: {  	[sflag:s8] =	ssyncset.s32 @!p0 $0xFFFFF086;
	s6 =	sadd.s32 @!p0 s3, s7;
	s7 =	simm.s32 @!p0 $0x108  }
0x21: {  	s3 =	sadd.s32 s3, s9;
	s6 =	sadd.s32 @!p0 $0x88, s6;
	s7 =	simm.s32 @p2 $0x1082  }
0x22: {  	[simem:s7], [sflag:s8] =	dma.local @!p0 [hbm:s6], $0xF7A  }
0x23: {  	s9 =	sor.u32 $0xD0000000, s2;
	s6 =	simm.s32 $0x108;
	_ =	swait.ge @!p0 [sflag:s8], $0x0  }
0x24: {  	s3 =	sadd.s32 $0x88, s3;
	s6 =	simm.s32 @!p1 $0x1082;
	[sflag:s4] =	ssyncset.s32 $0xFFFFF086  }
0x25: {  	[simem:s6], [sflag:s4] =	dma.local [hbm:s3], $0xF7A  }
0x26: {  	[smem:$0x3F92] =	sst s1;
	(tag) =	ssettag s2;
	_ =	strace s9  }
0x27: {  	s1 =	sld [smem:$0x3FA2]  }
0x28: {  	s2 =	sld [smem:$0x3FA3]  }
0x29: {  	s4 =	sld [smem:$0x3FA5]  }
0x2a: {  	p0 =	seq.s32 s5, $0x0;
	s5 =	sld [smem:$0x3FA6]  }
0x2b: {  	s6 =	sld [smem:$0x3FA7]  }
0x2c: {  	s7 =	sld [smem:$0x3FA8]  }
0x2d: {  	s3 =	simm.s32 $0x108;
	s8 =	sld [smem:$0x3FA9]  }
0x2e: {  	s3 =	simm.s32 @!p0 $0x1082;
	s9 =	sld [smem:$0x3FAA]  }
0x2f: {  	lr =	sadd.s32 s0, s3;
	s0 =	sld [smem:$0x3FA1]  }
0x30: {  	s3 =	sld [smem:$0x3FA4]  }
0x31: {  	[smem:$0x3FAD] =	sst s10  }
0x32: {  	s10 =	sld [smem:$0x3FAB];
	_ =	sdelay $0x3  }
0x33: {  	p0 =	seq.s32 s10, $0x1;
	s10 =	sld [smem:$0x3FAD];
	_ =	sdelay $0x3  }
0x34: {  	[smem:$0x3FAD] =	sst s10  }
0x35: {  	s10 =	sld [smem:$0x3FAC];
	_ =	sdelay $0x3  }
0x36: {  	p1 =	seq.s32 s10, $0x1;
	s10 =	sld [smem:$0x3FAD];
	_ =	sdelay $0x3  }
0x37: {  	[smem:$0x3FAD] =	sst s10  }
0x38: {  	s10 =	sld [smem:$0x3FAE]  }
0x39: {  	_ = 	snop;
	(pc) =	sbr.ind lr, $3  }
0x3a: {  	_ = 	snop  }
0x3b: {  	_ = 	snop  }
0x3c: {  	p2 =	seq.s32 s10, $0x1;
	s10 =	sld [smem:$0x3FAD]  }
0x3d: {  	_ =	shalt  }
0x3e: {  	_ =	shalt  }
0x3f: {  	_ =	shalt  }
0x40: {  	_ =	shalt  }
0x41: {  	_ =	shalt  }
0x42: {  	_ =	shalt  }
0x43: {  	_ =	shalt  }
0x44: {  	_ =	shalt  }
0x45: {  	_ =	shalt  }
0x46: {  	_ =	shalt  }
0x47: {  	_ =	shalt  }
0x48: {  	_ =	shalt  }
0x49: {  	_ =	shalt  }
0x4a: {  	_ =	shalt  }
0x4b: {  	_ =	shalt  }
0x4c: {  	_ =	shalt  }
0x4d: {  	_ =	shalt  }
0x4e: {  	_ =	shalt  }
0x4f: {  	_ =	shalt  }
0x50: {  	_ =	shalt  }
0x51: {  	_ =	shalt  }
0x52: {  	_ =	shalt  }
0x53: {  	_ =	shalt  }
0x54: {  	_ =	shalt  }
0x55: {  	_ =	shalt  }
0x56: {  	_ =	shalt  }
0x57: {  	_ =	shalt  }
0x58: {  	_ =	shalt  }
0x59: {  	_ =	shalt  }
0x5a: {  	_ =	shalt  }
0x5b: {  	_ =	shalt  }
0x5c: {  	_ =	shalt  }
0x5d: {  	_ =	shalt  }
0x5e: {  	_ =	shalt  }
0x5f: {  	_ =	shalt  }
0x60: {  	_ =	shalt  }
0x61: {  	_ =	shalt  }
0x62: {  	_ =	shalt  }
0x63: {  	_ =	shalt  }
0x64: {  	_ =	shalt  }
0x65: {  	_ =	shalt  }
0x66: {  	_ =	shalt  }
0x67: {  	_ =	shalt  }
0x68: {  	_ =	shalt  }
0x69: {  	_ =	shalt  }
0x6a: {  	_ =	shalt  }
0x6b: {  	_ =	shalt  }
0x6c: {  	_ =	shalt  }
0x6d: {  	_ =	shalt  }
0x6e: {  	_ =	shalt  }
0x6f: {  	_ =	shalt  }
0x70: {  	_ =	shalt  }
0x71: {  	_ =	shalt  }
0x72: {  	_ =	shalt  }
0x73: {  	_ =	shalt  }
0x74: {  	_ =	shalt  }
0x75: {  	_ =	shalt  }
0x76: {  	_ =	shalt  }
0x77: {  	_ =	shalt  }
0x78: {  	_ =	shalt  }
0x79: {  	_ =	shalt  }
0x7a: {  	_ =	shalt  }
0x7b: {  	_ =	shalt  }
0x7c: {  	_ =	shalt  }
0x7d: {  	_ =	shalt  }
0x7e: {  	_ =	shalt  }
0x7f: {  	_ =	shalt  }
0x80: {  	_ =	shalt  }
0x81: {  	_ =	shalt  }
0x82: {  	_ =	shalt  }
0x83: {  	_ =	shalt  }
0x84: {  	_ =	shalt  }
0x85: {  	_ =	shalt  }
0x86: {  	_ =	shalt  }
0x87: {  	_ =	shalt  }
.Lfunc_end0:
.L_simem_size_0:
called_computation_lowered:
.L_overlay_start_0:
0x88: {  	s2 =	sld [smem:$0x3FD9]  }
0x89: {  	s3 =	sld [smem:$0x3FFE];
	_ =	sdelay $0x1  }
0x8a: {  	s1 =	srdreg.scid  }
0x8b: {  	s0 =	sand.u32 $0x1, s1  }
0x8c: {  	s14 =	sshll.u32 s0, $0xA;
	s2 =	sadd.s32 s3, s2  }
0x8d: {  	s2 =	sadd.s32 s2, s14  }
0x8e: {  	[smem:$0x3FB9] =	sst s2  }
0x8f: {  	_ = 	snop  }
0x90: {  	s2 =	sld [smem:$0x3FD0];
	_ =	sdelay $0x2  }
0x91: {  	s15 =	simm.s32 $0xA;
	s4 =	simm.s32 $0x10  }
0x92: {  	[smem:s4], [sflag:s15] =	dma.local [hbm:s2], $0x1  }
0x93: {  	_ =	swait.eq [sflag:s15], $0x1  }
0x94: {  	[sflag:s15] =	ssyncset.done $0x0  }
0x95: {  	[sflag:s15] =	ssyncadd.s32 $0xFFFFFFFF  }
0x96: {  	s16 =	sld [smem:$0x10];
	(tm) =	ssettm $0x1  }
0x97: {  	s17 =	sld [smem:$0x3FFB];
	_ =	sdelay $0x3  }
0x98: {  	_ =	strace s17  }
0x99: {  	s3 =	sld [smem:$0x3FFC];
	_ =	sdelay $0x3  }
0x9a: {  	_ =	strace s3  }
0x9b: {  	s3 =	sld [smem:$0x3FFD];
	_ =	sdelay $0x3  }
0x9c: {  	_ =	strace s3  }
0x9d: {  	_ =	strace $0x8FFFFFFF  }
0x9e: {  	s18 =	sld [smem:$0x3FDB];
	_ =	sdelay $0x1  }
0x9f: {  	s19 =	simm.s32 $_scs_section_size  }
0xa0: {  	s5 =	simm.s32 $_size__tile_overlayer_lowered;
	s6 =	simm.s32 $_tile_overlayer_lowered  }
0xa1: {  	s22 =	simm.s32 $0x1BFF;
	s21 =	sshll.u32 s6, $0x1;
	s3 =	sadd.s32 s19, s18  }
0xa2: {  	s7 =	simm.s32 $0x0;
	s20 =	sshll.u32 s5, $0x1;
	s5 =	sadd.s32 s21, s3  }
0xa3: {  	[timem:s7], [sflag:s22] =	dma.local [hbm:s5], s20  }
0xa4: {  	_ =	swait.ge [sflag:s22], s20  }
0xa5: {  	s4 =	ssub.s32 $0x0, s20;
	[sflag:s22] =	ssyncset.done $0x0  }
0xa6: {  	[sflag:s22] =	ssyncadd.s32 s4;
	_ =	sdelay $0x1  }
0xa7: {  	s23 =	simm.s32 $0x1B8B  }
0xa8: {  	_ =	swait.ge [sflag:s23], $0x1  }
0xa9: {  	[sflag:s23] =	ssyncset.done $0x0  }
0xaa: {  	s25 =	simm.s32 $0x1B8E;
	s24 =	sld [smem:$0x3FFE];
	[sflag:s23] =	ssyncadd.s32 $0xFFFFFFFF  }
0xab: {  	s26 =	simm.s32 $execute0_lowered;
	[smem:$0x3FD2] =	sst s25  }
0xac: {  	s5 =	sshll.u32 s26, $0x1;
	_ =	strace $0x80000046;
	[dreg:$0x1] =	wrdreg $0xFFFFFFFF  }
0xad: {  	s28 =	simm.s32 $_size_execute0_lowered;
	s3 =	sadd.s32 s3, s5;
	[dreg:$0x0] =	wrdreg $0x0  }
0xae: {  	s5 =	sshll.u32 s28, $0x1;
	[dreg:$0x2] =	wrdreg s3  }
0xaf: {  	[dreg:$0x3] =	wrdreg s5  }
0xb0: {  	[dreg:$0x4] =	wrdreg $0xC0  }
0xb1: {  	_ =	task [dreg:s7], $0x5FFFF  }
0xb2: {  	[dreg:$0x1] =	wrdreg $0xFFFFFFFF  }
0xb3: {  	[dreg:$0x0] =	wrdreg $0x60  }
0xb4: {  	[dreg:$0x2] =	wrdreg s16  }
0xb5: {  	[dreg:$0x3] =	wrdreg s24  }
0xb6: {  	[dreg:$0x4] =	wrdreg $0x9  }
0xb7: {  	_ =	task.clear_ibuf [dreg:s7], $0x5FFFF;
	_ =	strace $0x90000046  }
0xb8: {  	s29 =	simm.s32 $0x9;
	_ =	strace $0x80000048  }
0xb9: {  	_ =	swait.ge [sflag:s29], $0x1  }
0xba: {  	[sflag:s29] =	ssyncadd.s32 $0xFFFFFFFF  }
0xbb: {  	_ =	strace $0x90000048  }
0xbc: {  	_ =	sfence  }
0xbd: {  	s30 =	sld [smem:$0x0];
	_ =	sdelay $0x2  }
0xbe: {  	s31 =	sshll.u32 s1, $0xD;
	s1 =	sshrl.u32 s1, $0x2  }
0xbf: {  	s3 =	sand.u32 $0x4000, s31;
	s1 =	sadd.s32 s1, s30  }
0xc0: {  	s0 =	sor.u32 s3, s0;
	s1 =	sshll.u32 s1, $0x11  }
0xc1: {  	s0 =	sor.u32 s1, s0  }
0xc2: {  	s0 =	sadd.s32 $0x8F2B, s0  }
0xc3: {  	[sflag:s0] =	ssyncadd.remote.s32 $0x1  }
0xc4: {  	_ =	sfence.sel $0xFFFF  }
0xc5: {  	[dreg:$0x0] =	wrdreg $0xFFFFFFFF;
	(pc) =	sbr.abs _section_cstart, $3  }
0xc6: {  	[dreg:$0x1] =	wrdreg $0xFFFFFFFF  }
0xc7: {  	_ =	task.clear_ibuf [dreg:s7], $0x2FFFF;
	_ =	strace $0x9FFFFFFF  }
0xc8: {  	(tm) =	ssettm $0x7FFFFFFF  }
0xc9: {  	_ =	shalt  }
tec
execute0_lowered:
.L_overlay_start_1:
0x0: {  	(tag) =	ssettag $0x1  }
0x1: {  	s0 =	srdreg.scid  }
0x2: {  	s1 =	rddreg [dreg:$0x0];
	s2 =	stileid.u32  }
0x3: {  	s6 =	rddreg [dreg:$0x1];
	s26 =	simm.s32 $0x80;
	s8 =	simm.s32 $0x2  }
0x4: {  	s10 =	simm.s32 $0x100;
	s22 =	simm.s32 $0x1900;
	s23 =	simm.s32 $0x2100  }
0x5: {  	s24 =	simm.s32 $0x2900;
	s28 =	simm.s32 $0x4100;
	s29 =	simm.s32 $0x4900  }
0x6: {  	s30 =	simm.s32 $0x5100;
	s31 =	simm.s32 $0x5900;
	s11 =	simm.s32 $0x7100  }
0x7: {  	s12 =	simm.s32 $0x7900;
	s13 =	simm.s32 $0x8100;
	s14 =	simm.s32 $0x8900  }
0x8: {  	s15 =	simm.s32 $0x9100;
	s16 =	simm.s32 $0x9900;
	s17 =	simm.s32 $0xA100  }
0x9: {  	s18 =	simm.s32 $0xA900;
	s19 =	simm.s32 $0xB100;
	s9 =	simm.s32 $0xB900  }
0xa: {  	s0 =	sand.u32 $0x1, s0;
	s3 =	sshll.u32 s2, $0x7;
	s2 =	simm.s32 $0x0  }
0xb: {  	s4 =	sshll.u32 s0, $0x6;
	[smem:$0x7FF] =	sst s2;
	s0 =	ssub.s32 $0x2, s0  }
0xc: {  	s4 =	sor.u32 s4, s3;
	_ =	strace $0x80000047;
	s25 =	sshrl.u32 s0, $0x1  }
0xd: {  	[dreg:$0x6] =	wrdreg s26;
	s3 =	sshrl.u32 s4, $0x3;
	s4 =	sshll.u32 s4, $0x7  }
0xe: {  	s26 =	simm.s32 $0x3900;
	s5 =	sadd.s32 s3, s6;
	s1 =	sadd.s32 s1, s4  }
0xf: {  	s0 =	ssub.s32 s0, s25;
	s7 =	sadd.s32 $0x2200, s5;
	[dreg:$0x5] =	wrdreg s1  }
0x10: {  	v2 =	vlaneseq.u32;
	s25 =	simm.s32 $0x3100;
	s5 =	sadd.s32 $0x2400, s5;
	[dreg:$0x3] =	wrdreg s7  }
0x11: {  	vm0 =	vmmov $0xffff;
	v1 =	vshrl.u32 v2, $0x3;
	s3 =	sadd.s32 $0x2600, s6;
	s4 =	sadd.s32 $0x2700, s6;
	[dreg:$0x4] =	wrdreg s5  }
0x12: {  	v0 =	vand.u32 $0x7, v2;
	v2 =	vor.u32 $0x8, v2;
	v1 =	vmul.u32 $0x8, v1;
	s5 =	sadd.s32 $0x2800, s6;
	s6 =	sadd.s32 $0x2900, s6;
	s7 =	smax.u32 s0, $0x1  }
.LBB2_1:
0x13: {  	s20 =	rddreg [dreg:$0x3]  }
0x14: {  	[tilespmem:s2], [sflag:$0x2] =	stream.linear.gather [hbm4b:s20+s2], $0x40, $0x38;
	[tilespmem:$0x10100] =	vst v63  }
0x15: {  	_ =	swait.ge [sflag:s8], $0x40  }
0x16: {  	s0 =	rddreg [dreg:$0x4];
	[sflag:s8] =	ssyncset.done $0x0  }
0x17: {  	s21 =	rddreg [dreg:$0x6];
	[sflag:s8] =	ssyncadd.s32 $0xFFFFFFC0  }
0x18: {  	[tilespmem:s21], [sflag:$0x2] =	stream.linear.gather [hbm4b:s0+s2], $0x40, $0x38;
	[tilespmem:$0x10100] =	vst v63  }
0x19: {  	_ =	swait.ge [sflag:s8], $0x40  }
0x1a: {  	[sflag:s8] =	ssyncset.done $0x0  }
0x1b: {  	s0 =	simm.s32 $0x1;
	s1 =	rddreg [dreg:$0x5];
	[sflag:s8] =	ssyncadd.s32 $0xFFFFFFC0  }
0x1c: {  	[tilespmem:s10], [sflag:$0x1] =	stream.linear.gather [hbm4b:s1+s2], $0x10000, $0x38;
	[tilespmem:$0x10100] =	vst v63  }
0x1d: {  	_ =	swait.ge [sflag:s0], $0x10000  }
0x1e: {  	[sflag:s0] =	ssyncset.done $0x0  }
0x1f: {  	[sflag:s0] =	ssyncadd.s32 $0xFFFF0000  }
0x20: {  	v3 =	vld [tilespmem:$0x0];
	_ =	sdelay $0x4  }
0x21: {  	v4 =	vshll.u32 v3, $0x3  }
0x22: {  	v3 =	vand.u32 $0x7, v3;
	v4 =	vand.u32 $0xFFFFFFC0, v4  }
0x23: {  	v3 =	vor.u32 v3, v4  }
0x24: {  	v4 =	vperm.xlane v3, v0;
	_ =	sdelay $0x1  }
0x25: {  	v4 =	vadd.s32 v1, v4;
	_ =	sdelay $0x4  }
0x26: {  	[hbm4b:s3+s2] =	stream.indirect_vreg.scatter [tilespmem:s10], [sflag:$0x2], $0x80, v4, vm0, $0xb8;
	[tilespmem:$0x10100] =	vst v63  }
0x27: {  	s20 =	simm.s32 $0x900;
	v3 =	vperm.xlane v3, v2  }
0x28: {  	[hbm4b:s4+s2] =	stream.indirect_vreg.scatter [tilespmem:s20], [sflag:$0x2], $0x80, v4, vm0, $0xb8;
	[tilespmem:$0x10100] =	vst v63  }
0x29: {  	s21 =	simm.s32 $0x1100;
	v3 =	vadd.s32 v1, v3  }
0x2a: {  	[hbm4b:s5+s2] =	stream.indirect_vreg.scatter [tilespmem:s21], [sflag:$0x2], $0x80, v4, vm0, $0xb8;
	[tilespmem:$0x10100] =	vst v63  }
0x2b: {  	_ = 	snop  }
0x2c: {  	[hbm4b:s6+s2] =	stream.indirect_vreg.scatter [tilespmem:s22], [sflag:$0x2], $0x80, v4, vm0, $0xb8;
	[tilespmem:$0x10100] =	vst v63  }
0x2d: {  	_ = 	snop  }
0x2e: {  	[hbm4b:s3+s2] =	stream.indirect_vreg.scatter [tilespmem:s23], [sflag:$0x2], $0x80, v3, vm0, $0xb8;
	[tilespmem:$0x10100] =	vst v63  }
0x2f: {  	_ = 	snop  }
0x30: {  	[hbm4b:s4+s2] =	stream.indirect_vreg.scatter [tilespmem:s24], [sflag:$0x2], $0x80, v3, vm0, $0xb8;
	[tilespmem:$0x10100] =	vst v63  }
0x31: {  	_ = 	snop  }
0x32: {  	[hbm4b:s5+s2] =	stream.indirect_vreg.scatter [tilespmem:s25], [sflag:$0x2], $0x80, v3, vm0, $0xb8;
	[tilespmem:$0x10100] =	vst v63  }
0x33: {  	_ = 	snop  }
0x34: {  	[hbm4b:s6+s2] =	stream.indirect_vreg.scatter [tilespmem:s26], [sflag:$0x2], $0x80, v3, vm0, $0xb8;
	[tilespmem:$0x10100] =	vst v63  }
0x35: {  	v3 =	vld [tilespmem:$0x10];
	_ =	sdelay $0x4  }
0x36: {  	v57 =	vshll.u32 v3, $0x3  }
0x37: {  	v3 =	vand.u32 $0x7, v3;
	v4 =	vand.u32 $0xFFFFFFC0, v57  }
0x38: {  	v3 =	vor.u32 v3, v4  }
0x39: {  	v4 =	vperm.xlane v3, v0;
	_ =	sdelay $0x1  }
0x3a: {  	v4 =	vadd.s32 v1, v4;
	_ =	sdelay $0x4  }
0x3b: {  	[hbm4b:s3+s2] =	stream.indirect_vreg.scatter [tilespmem:s28], [sflag:$0x2], $0x80, v4, vm0, $0xb8;
	[tilespmem:$0x10100] =	vst v63  }
0x3c: {  	v3 =	vperm.xlane v3, v2  }
0x3d: {  	[hbm4b:s4+s2] =	stream.indirect_vreg.scatter [tilespmem:s29], [sflag:$0x2], $0x80, v4, vm0, $0xb8;
	[tilespmem:$0x10100] =	vst v63  }
0x3e: {  	v3 =	vadd.s32 v1, v3  }
0x3f: {  	[hbm4b:s5+s2] =	stream.indirect_vreg.scatter [tilespmem:s30], [sflag:$0x2], $0x80, v4, vm0, $0xb8;
	[tilespmem:$0x10100] =	vst v63  }
0x40: {  	_ = 	snop  }
0x41: {  	[hbm4b:s6+s2] =	stream.indirect_vreg.scatter [tilespmem:s31], [sflag:$0x2], $0x80, v4, vm0, $0xb8;
	[tilespmem:$0x10100] =	vst v63  }
0x42: {  	s1 =	simm.s32 $0x6100  }
0x43: {  	[hbm4b:s3+s2] =	stream.indirect_vreg.scatter [tilespmem:s1], [sflag:$0x2], $0x80, v3, vm0, $0xb8;
	[tilespmem:$0x10100] =	vst v63  }
0x44: {  	s0 =	simm.s32 $0x6900  }
0x45: {  	[hbm4b:s4+s2] =	stream.indirect_vreg.scatter [tilespmem:s0], [sflag:$0x2], $0x80, v3, vm0, $0xb8;
	[tilespmem:$0x10100] =	vst v63  }
0x46: {  	_ = 	snop  }
0x47: {  	[hbm4b:s5+s2] =	stream.indirect_vreg.scatter [tilespmem:s11], [sflag:$0x2], $0x80, v3, vm0, $0xb8;
	[tilespmem:$0x10100] =	vst v63  }
0x48: {  	_ = 	snop  }
0x49: {  	[hbm4b:s6+s2] =	stream.indirect_vreg.scatter [tilespmem:s12], [sflag:$0x2], $0x80, v3, vm0, $0xb8;
	[tilespmem:$0x10100] =	vst v63  }
0x4a: {  	v3 =	vld [tilespmem:$0x20];
	_ =	sdelay $0x4  }
0x4b: {  	v58 =	vshll.u32 v3, $0x3  }
0x4c: {  	v3 =	vand.u32 $0x7, v3;
	v4 =	vand.u32 $0xFFFFFFC0, v58  }
0x4d: {  	v3 =	vor.u32 v3, v4  }
0x4e: {  	v4 =	vperm.xlane v3, v0;
	_ =	sdelay $0x1  }
0x4f: {  	v4 =	vadd.s32 v1, v4;
	_ =	sdelay $0x4  }
0x50: {  	[hbm4b:s3+s2] =	stream.indirect_vreg.scatter [tilespmem:s13], [sflag:$0x2], $0x80, v4, vm0, $0xb8;
	[tilespmem:$0x10100] =	vst v63  }
0x51: {  	v3 =	vperm.xlane v3, v2  }
0x52: {  	[hbm4b:s4+s2] =	stream.indirect_vreg.scatter [tilespmem:s14], [sflag:$0x2], $0x80, v4, vm0, $0xb8;
	[tilespmem:$0x10100] =	vst v63  }
0x53: {  	v3 =	vadd.s32 v1, v3  }
0x54: {  	[hbm4b:s5+s2] =	stream.indirect_vreg.scatter [tilespmem:s15], [sflag:$0x2], $0x80, v4, vm0, $0xb8;
	[tilespmem:$0x10100] =	vst v63  }
0x55: {  	_ = 	snop  }
0x56: {  	[hbm4b:s6+s2] =	stream.indirect_vreg.scatter [tilespmem:s16], [sflag:$0x2], $0x80, v4, vm0, $0xb8;
	[tilespmem:$0x10100] =	vst v63  }
0x57: {  	_ = 	snop  }
0x58: {  	[hbm4b:s3+s2] =	stream.indirect_vreg.scatter [tilespmem:s17], [sflag:$0x2], $0x80, v3, vm0, $0xb8;
	[tilespmem:$0x10100] =	vst v63  }
0x59: {  	_ = 	snop  }
0x5a: {  	[hbm4b:s4+s2] =	stream.indirect_vreg.scatter [tilespmem:s18], [sflag:$0x2], $0x80, v3, vm0, $0xb8;
	[tilespmem:$0x10100] =	vst v63  }
0x5b: {  	_ = 	snop  }
0x5c: {  	[hbm4b:s5+s2] =	stream.indirect_vreg.scatter [tilespmem:s19], [sflag:$0x2], $0x80, v3, vm0, $0xb8;
	[tilespmem:$0x10100] =	vst v63  }
0x5d: {  	_ = 	snop  }
0x5e: {  	[hbm4b:s6+s2] =	stream.indirect_vreg.scatter [tilespmem:s9], [sflag:$0x2], $0x80, v3, vm0, $0xb8;
	[tilespmem:$0x10100] =	vst v63  }
0x5f: {  	v3 =	vld [tilespmem:$0x30];
	_ =	sdelay $0x4  }
0x60: {  	v59 =	vshll.u32 v3, $0x3  }
0x61: {  	v3 =	vand.u32 $0x7, v3;
	v4 =	vand.u32 $0xFFFFFFC0, v59  }
0x62: {  	v3 =	vor.u32 v3, v4  }
0x63: {  	v4 =	vperm.xlane v3, v0;
	_ =	sdelay $0x1  }
0x64: {  	v4 =	vadd.s32 v1, v4;
	_ =	sdelay $0x3  }
0x65: {  	s0 =	simm.s32 $0xC100  }
0x66: {  	[hbm4b:s3+s2] =	stream.indirect_vreg.scatter [tilespmem:s0], [sflag:$0x2], $0x80, v4, vm0, $0xb8;
	[tilespmem:$0x10100] =	vst v63  }
0x67: {  	v3 =	vperm.xlane v3, v2;
	s0 =	simm.s32 $0xC900  }
0x68: {  	[hbm4b:s4+s2] =	stream.indirect_vreg.scatter [tilespmem:s0], [sflag:$0x2], $0x80, v4, vm0, $0xb8;
	[tilespmem:$0x10100] =	vst v63  }
0x69: {  	v3 =	vadd.s32 v1, v3;
	s0 =	simm.s32 $0xD100  }
0x6a: {  	[hbm4b:s5+s2] =	stream.indirect_vreg.scatter [tilespmem:s0], [sflag:$0x2], $0x80, v4, vm0, $0xb8;
	[tilespmem:$0x10100] =	vst v63  }
0x6b: {  	s0 =	simm.s32 $0xD900  }
0x6c: {  	[hbm4b:s6+s2] =	stream.indirect_vreg.scatter [tilespmem:s0], [sflag:$0x2], $0x80, v4, vm0, $0xb8;
	[tilespmem:$0x10100] =	vst v63  }
0x6d: {  	s0 =	simm.s32 $0xE100  }
0x6e: {  	[hbm4b:s3+s2] =	stream.indirect_vreg.scatter [tilespmem:s0], [sflag:$0x2], $0x80, v3, vm0, $0xb8;
	[tilespmem:$0x10100] =	vst v63  }
0x6f: {  	s0 =	simm.s32 $0xE900  }
0x70: {  	[hbm4b:s4+s2] =	stream.indirect_vreg.scatter [tilespmem:s0], [sflag:$0x2], $0x80, v3, vm0, $0xb8;
	[tilespmem:$0x10100] =	vst v63  }
0x71: {  	s0 =	simm.s32 $0xF100  }
0x72: {  	[hbm4b:s5+s2] =	stream.indirect_vreg.scatter [tilespmem:s0], [sflag:$0x2], $0x80, v3, vm0, $0xb8;
	[tilespmem:$0x10100] =	vst v63  }
0x73: {  	s0 =	simm.s32 $0xF900  }
0x74: {  	[hbm4b:s6+s2] =	stream.indirect_vreg.scatter [tilespmem:s0], [sflag:$0x2], $0x80, v3, vm0, $0xb8;
	[tilespmem:$0x10100] =	vst v63  }
0x75: {  	_ =	swait.ge [sflag:s8], $0x10000  }
0x76: {  	[sflag:s8] =	ssyncset.done $0x0  }
0x77: {  	[sflag:s8] =	ssyncadd.s32 $0xFFFF0000  }
0x78: {  	v3 =	vld [tilespmem:$0x80];
	_ =	sdelay $0x4  }
0x79: {  	v60 =	vshll.u32 v3, $0x3  }
0x7a: {  	v3 =	vand.u32 $0x7, v3;
	v4 =	vand.u32 $0xFFFFFFC0, v60  }
0x7b: {  	v3 =	vor.u32 v3, v4  }
0x7c: {  	v4 =	vperm.xlane v3, v0;
	_ =	sdelay $0x1  }
0x7d: {  	v4 =	vadd.s32 v1, v4;
	_ =	sdelay $0x4  }
0x7e: {  	[hbm4b:s3+s2] =	stream.indirect_vreg.scatter [tilespmem:s10], [sflag:$0x2], $0x80, v4, vm0, $0xb8;
	[tilespmem:$0x10100] =	vst v63  }
0x7f: {  	v3 =	vperm.xlane v3, v2  }
0x80: {  	[hbm4b:s4+s2] =	stream.indirect_vreg.scatter [tilespmem:s20], [sflag:$0x2], $0x80, v4, vm0, $0xb8;
	[tilespmem:$0x10100] =	vst v63  }
0x81: {  	v3 =	vadd.s32 v1, v3  }
0x82: {  	[hbm4b:s5+s2] =	stream.indirect_vreg.scatter [tilespmem:s21], [sflag:$0x2], $0x80, v4, vm0, $0xb8;
	[tilespmem:$0x10100] =	vst v63  }
0x83: {  	_ = 	snop  }
0x84: {  	[hbm4b:s6+s2] =	stream.indirect_vreg.scatter [tilespmem:s22], [sflag:$0x2], $0x80, v4, vm0, $0xb8;
	[tilespmem:$0x10100] =	vst v63  }
0x85: {  	_ = 	snop  }
0x86: {  	[hbm4b:s3+s2] =	stream.indirect_vreg.scatter [tilespmem:s23], [sflag:$0x2], $0x80, v3, vm0, $0xb8;
	[tilespmem:$0x10100] =	vst v63  }
0x87: {  	_ = 	snop  }
0x88: {  	[hbm4b:s4+s2] =	stream.indirect_vreg.scatter [tilespmem:s24], [sflag:$0x2], $0x80, v3, vm0, $0xb8;
	[tilespmem:$0x10100] =	vst v63  }
0x89: {  	_ = 	snop  }
0x8a: {  	[hbm4b:s5+s2] =	stream.indirect_vreg.scatter [tilespmem:s25], [sflag:$0x2], $0x80, v3, vm0, $0xb8;
	[tilespmem:$0x10100] =	vst v63  }
0x8b: {  	_ = 	snop  }
0x8c: {  	[hbm4b:s6+s2] =	stream.indirect_vreg.scatter [tilespmem:s26], [sflag:$0x2], $0x80, v3, vm0, $0xb8;
	[tilespmem:$0x10100] =	vst v63  }
0x8d: {  	v3 =	vld [tilespmem:$0x90];
	_ =	sdelay $0x4  }
0x8e: {  	v61 =	vshll.u32 v3, $0x3  }
0x8f: {  	v3 =	vand.u32 $0x7, v3;
	v4 =	vand.u32 $0xFFFFFFC0, v61  }
0x90: {  	v3 =	vor.u32 v3, v4  }
0x91: {  	v4 =	vperm.xlane v3, v0;
	_ =	sdelay $0x1  }
0x92: {  	v4 =	vadd.s32 v1, v4;
	_ =	sdelay $0x4  }
0x93: {  	[hbm4b:s3+s2] =	stream.indirect_vreg.scatter [tilespmem:s28], [sflag:$0x2], $0x80, v4, vm0, $0xb8;
	[tilespmem:$0x10100] =	vst v63  }
0x94: {  	v3 =	vperm.xlane v3, v2  }
0x95: {  	[hbm4b:s4+s2] =	stream.indirect_vreg.scatter [tilespmem:s29], [sflag:$0x2], $0x80, v4, vm0, $0xb8;
	[tilespmem:$0x10100] =	vst v63  }
0x96: {  	v3 =	vadd.s32 v1, v3  }
0x97: {  	[hbm4b:s5+s2] =	stream.indirect_vreg.scatter [tilespmem:s30], [sflag:$0x2], $0x80, v4, vm0, $0xb8;
	[tilespmem:$0x10100] =	vst v63  }
0x98: {  	_ = 	snop  }
0x99: {  	[hbm4b:s6+s2] =	stream.indirect_vreg.scatter [tilespmem:s31], [sflag:$0x2], $0x80, v4, vm0, $0xb8;
	[tilespmem:$0x10100] =	vst v63  }
0x9a: {  	_ = 	snop  }
0x9b: {  	[hbm4b:s3+s2] =	stream.indirect_vreg.scatter [tilespmem:s1], [sflag:$0x2], $0x80, v3, vm0, $0xb8;
	[tilespmem:$0x10100] =	vst v63  }
0x9c: {  	s20 =	simm.s32 $0x6900  }
0x9d: {  	[hbm4b:s4+s2] =	stream.indirect_vreg.scatter [tilespmem:s20], [sflag:$0x2], $0x80, v3, vm0, $0xb8;
	[tilespmem:$0x10100] =	vst v63  }
0x9e: {  	_ = 	snop  }
0x9f: {  	[hbm4b:s5+s2] =	stream.indirect_vreg.scatter [tilespmem:s11], [sflag:$0x2], $0x80, v3, vm0, $0xb8;
	[tilespmem:$0x10100] =	vst v63  }
0xa0: {  	_ = 	snop  }
0xa1: {  	[hbm4b:s6+s2] =	stream.indirect_vreg.scatter [tilespmem:s12], [sflag:$0x2], $0x80, v3, vm0, $0xb8;
	[tilespmem:$0x10100] =	vst v63  }
0xa2: {  	v3 =	vld [tilespmem:$0xA0];
	_ =	sdelay $0x4  }
0xa3: {  	v62 =	vshll.u32 v3, $0x3  }
0xa4: {  	v3 =	vand.u32 $0x7, v3;
	v4 =	vand.u32 $0xFFFFFFC0, v62  }
0xa5: {  	v3 =	vor.u32 v3, v4  }
0xa6: {  	v4 =	vperm.xlane v3, v0;
	_ =	sdelay $0x1  }
0xa7: {  	v4 =	vadd.s32 v1, v4;
	_ =	sdelay $0x4  }
0xa8: {  	[hbm4b:s3+s2] =	stream.indirect_vreg.scatter [tilespmem:s13], [sflag:$0x2], $0x80, v4, vm0, $0xb8;
	[tilespmem:$0x10100] =	vst v63  }
0xa9: {  	v3 =	vperm.xlane v3, v2  }
0xaa: {  	[hbm4b:s4+s2] =	stream.indirect_vreg.scatter [tilespmem:s14], [sflag:$0x2], $0x80, v4, vm0, $0xb8;
	[tilespmem:$0x10100] =	vst v63  }
0xab: {  	v3 =	vadd.s32 v1, v3  }
0xac: {  	[hbm4b:s5+s2] =	stream.indirect_vreg.scatter [tilespmem:s15], [sflag:$0x2], $0x80, v4, vm0, $0xb8;
	[tilespmem:$0x10100] =	vst v63  }
0xad: {  	_ = 	snop  }
0xae: {  	[hbm4b:s6+s2] =	stream.indirect_vreg.scatter [tilespmem:s16], [sflag:$0x2], $0x80, v4, vm0, $0xb8;
	[tilespmem:$0x10100] =	vst v63  }
0xaf: {  	_ = 	snop  }
0xb0: {  	[hbm4b:s3+s2] =	stream.indirect_vreg.scatter [tilespmem:s17], [sflag:$0x2], $0x80, v3, vm0, $0xb8;
	[tilespmem:$0x10100] =	vst v63  }
0xb1: {  	_ = 	snop  }
0xb2: {  	[hbm4b:s4+s2] =	stream.indirect_vreg.scatter [tilespmem:s18], [sflag:$0x2], $0x80, v3, vm0, $0xb8;
	[tilespmem:$0x10100] =	vst v63  }
0xb3: {  	_ = 	snop  }
0xb4: {  	[hbm4b:s5+s2] =	stream.indirect_vreg.scatter [tilespmem:s19], [sflag:$0x2], $0x80, v3, vm0, $0xb8;
	[tilespmem:$0x10100] =	vst v63  }
0xb5: {  	_ = 	snop  }
0xb6: {  	[hbm4b:s6+s2] =	stream.indirect_vreg.scatter [tilespmem:s9], [sflag:$0x2], $0x80, v3, vm0, $0xb8;
	[tilespmem:$0x10100] =	vst v63  }
0xb7: {  	v3 =	vld [tilespmem:$0xB0];
	_ =	sdelay $0x4  }
0xb8: {  	v63 =	vshll.u32 v3, $0x3  }
0xb9: {  	v3 =	vand.u32 $0x7, v3;
	v4 =	vand.u32 $0xFFFFFFC0, v63  }
0xba: {  	v3 =	vor.u32 v3, v4  }
0xbb: {  	v4 =	vperm.xlane v3, v0;
	_ =	sdelay $0x1  }
0xbc: {  	v4 =	vadd.s32 v1, v4;
	_ =	sdelay $0x3  }
0xbd: {  	s21 =	simm.s32 $0xC100  }
0xbe: {  	[hbm4b:s3+s2] =	stream.indirect_vreg.scatter [tilespmem:s21], [sflag:$0x2], $0x80, v4, vm0, $0xb8;
	[tilespmem:$0x10100] =	vst v63  }
0xbf: {  	s20 =	simm.s32 $0xC900;
	v3 =	vperm.xlane v3, v2  }
0xc0: {  	[hbm4b:s4+s2] =	stream.indirect_vreg.scatter [tilespmem:s20], [sflag:$0x2], $0x80, v4, vm0, $0xb8;
	[tilespmem:$0x10100] =	vst v63  }
0xc1: {  	v3 =	vadd.s32 v1, v3;
	s21 =	simm.s32 $0xD100  }
0xc2: {  	[hbm4b:s5+s2] =	stream.indirect_vreg.scatter [tilespmem:s21], [sflag:$0x2], $0x80, v4, vm0, $0xb8;
	[tilespmem:$0x10100] =	vst v63  }
0xc3: {  	s20 =	simm.s32 $0xD900  }
0xc4: {  	[hbm4b:s6+s2] =	stream.indirect_vreg.scatter [tilespmem:s20], [sflag:$0x2], $0x80, v4, vm0, $0xb8;
	[tilespmem:$0x10100] =	vst v63  }
0xc5: {  	s21 =	simm.s32 $0xE100  }
0xc6: {  	[hbm4b:s3+s2] =	stream.indirect_vreg.scatter [tilespmem:s21], [sflag:$0x2], $0x80, v3, vm0, $0xb8;
	[tilespmem:$0x10100] =	vst v63  }
0xc7: {  	s20 =	simm.s32 $0xE900  }
0xc8: {  	[hbm4b:s4+s2] =	stream.indirect_vreg.scatter [tilespmem:s20], [sflag:$0x2], $0x80, v3, vm0, $0xb8;
	[tilespmem:$0x10100] =	vst v63  }
0xc9: {  	p0 =	sne.s32 s7, $0x1;
	s21 =	simm.s32 $0xF100  }
0xca: {  	[hbm4b:s5+s2] =	stream.indirect_vreg.scatter [tilespmem:s21], [sflag:$0x2], $0x80, v3, vm0, $0xb8;
	[tilespmem:$0x10100] =	vst v63  }
.Ltmp0:
0xcb: {  	_ = 	snop;
	(pc) =	sbr.rel @p0 .LBB2_1-.Ltmp0, $4  }
0xcc: {  	[hbm4b:s6+s2] =	stream.indirect_vreg.scatter [tilespmem:s0], [sflag:$0x2], $0x80, v3, vm0, $0xb8;
	[tilespmem:$0x10100] =	vst v63  }
0xcd: {  	_ =	swait.ge [sflag:s8], $0x10000  }
0xce: {  	[sflag:s8] =	ssyncset.done $0x0  }
0xcf: {  	s7 =	sadd.s32 $0xFFFFFFFF, s7;
	[sflag:s8] =	ssyncadd.s32 $0xFFFF0000  }
0xd0: {  	_ =	sfence.sel $0x180000  }
0xd1: {  	[bflag:$0x0] =	sbarrier.arrive $0xFFFF  }
0xd2: {  	_ =	strace $0x90000047  }
0xd3: {  	s0 =	stileid.u32;
	[bflag:$0x2] =	sbarrier.arrive $0xFFFF  }
0xd4: {  	p0 =	sne.s32 s0, $0x0;
	s0 =	rddreg [dreg:$0x2]  }
0xd5: {  	s0 =	sadd.s32 @!p0 $0x100000, s0  }
0xd6: {  	[sflag:s0] =	ssyncadd.tile.s32 @!p0 $0x1;
	_ =	shalt  }
.Lfunc_end2:
_tile_overlayer_lowered:
.L_overlay_start_2:
0xd7: {  	(tag) =	ssettag $0x2  }
0xd8: {  	s0 =	rddreg [dreg:$0x0];
	s2 =	stileid.u32  }
0xd9: {  	s1 =	rddreg [dreg:$0x1];
	p0 =	sne.s32 s2, $0x0  }
0xda: {  	s3 =	rddreg [dreg:$0x2];
	[bflag:$0x3] =	sbarrier.arrive $0xFFFF;
	s2 =	simm.s32 @!p0 $0x1C02  }
0xdb: {  	[timem:s3], [sflag:s2] =	dma.local @!p0 [hbm:s0], s1  }
0xdc: {  	s0 =	simm.s32 @!p0 $0x2  }
0xdd: {  	_ =	swait.ge @!p0 [sflag:s0], s1  }
0xde: {  	s1 =	ssub.s32 @!p0 $0x0, s1;
	[sflag:s0] =	ssyncset.done @!p0 $0x0  }
0xdf: {  	[sflag:s0] =	ssyncadd.s32 @!p0 s1  }
0xe0: {  	[bflag:$0x3] =	sbarrier.arrive $0xFFFF  }
0xe1: {  	_ =	shalt  }

</sc_bundles>
